<compile_context>
chip_gen: v7x
topology: tpu7x:2x2x1
jax: 0.10.2.dev20260603
libtpu: 0.0.44.dev20260713+nightly
codegen_flags: <defaults>
</compile_context>

<pallas_src>
import functools

import jax
import jax.numpy as jnp
from jax import lax
from jax.experimental import pallas as pl
from jax.experimental.pallas import tpu as pltpu
from jax.experimental.pallas import tpu_sc as plsc

_N = 10000
_E = 320000
_DIN = 128
_HID = 256
_NPAD = 10240
_EPAD = 327680
_NSUB = 16
_NCORE = 2
_K = 128
_GRP = 16
_ECHUNKS = _EPAD // _K
_ROWS_PER_SUB = _NPAD // _NSUB
_ZROWS = 32
_BM = 1024
_GRID = _NPAD // _BM

_vec_mesh = plsc.VectorSubcoreMesh(core_axis_name="c", subcore_axis_name="s")


def _zero_fill_1d(buf, n):
    @pl.loop(0, n // 16)
    def _(i):
        buf[pl.ds(i * 16, 16)] = jnp.zeros((16,), jnp.float32)


def _zero_fill_2d(buf, rows, cols):
    @pl.loop(0, rows)
    def _(r):
        @pl.loop(0, cols // 16)
        def _(j):
            buf[r, pl.ds(j * 16, 16)] = jnp.zeros((16,), jnp.float32)


def _deg_call(src2, dst2):
    chunks = _ECHUNKS // _NSUB

    @functools.partial(
        pl.kernel,
        out_type=jax.ShapeDtypeStruct((_NCORE, _NPAD), jnp.float32),
        mesh=_vec_mesh,
        scratch_types=[
            pltpu.VMEM((chunks, _K), jnp.int32),
            pltpu.VMEM((_K,), jnp.float32),
            pltpu.VMEM((_ROWS_PER_SUB,), jnp.float32),
            pltpu.VMEM_SHARED((_NPAD,), jnp.float32),
            pltpu.SemaphoreType.DMA,
            pltpu.SemaphoreType.DMA,
        ],
    )
    def k(src_hbm, dst_hbm, out_hbm, idx_b, ones_b, zb, acc, isem, ssem):
        c = lax.axis_index("c")
        s = lax.axis_index("s")
        _zero_fill_1d(zb, _ROWS_PER_SUB)

        @pl.loop(0, _K // 16)
        def _(i):
            ones_b[pl.ds(i * 16, 16)] = jnp.ones((16,), jnp.float32)

        cbase = s * chunks

        @pl.when(c == 0)
        def _():
            pltpu.async_copy(src_hbm.at[pl.ds(cbase, chunks)], idx_b, isem)

        @pl.when(c == 1)
        def _():
            pltpu.async_copy(dst_hbm.at[pl.ds(cbase, chunks)], idx_b, isem)

        pltpu.sync_copy(zb, acc.at[pl.ds(s * _ROWS_PER_SUB, _ROWS_PER_SUB)])
        pltpu.make_async_copy(src_hbm.at[pl.ds(cbase, chunks)], idx_b,
                              isem).wait()
        plsc.subcore_barrier()

        @pl.loop(0, 8)
        def _(t):
            pltpu.async_copy(ones_b, acc.at[idx_b.at[t]], ssem, add=True)

        @pl.loop(8, chunks)
        def _(t):
            pltpu.make_async_copy(ones_b, acc.at[idx_b.at[t - 8]],
                                  ssem).wait()
            pltpu.async_copy(ones_b, acc.at[idx_b.at[t]], ssem, add=True)

        @pl.loop(chunks - 8, chunks)
        def _(t):
            pltpu.make_async_copy(ones_b, acc.at[idx_b.at[t]], ssem).wait()

        plsc.subcore_barrier()
        pltpu.sync_copy(
            acc.at[pl.ds(s * _ROWS_PER_SUB, _ROWS_PER_SUB)],
            out_hbm.at[c].at[pl.ds(s * _ROWS_PER_SUB, _ROWS_PER_SUB)],
        )

    return k(src2, dst2)


def _make_agg(edge_split):
    chunks = _ECHUNKS // (_NSUB * (_NCORE if edge_split else 1))
    grp = 40 if edge_split else 2 * _GRP
    ngroups = chunks // grp

    @functools.partial(
        pl.kernel,
        out_type=jax.ShapeDtypeStruct((_NCORE, _NPAD, _DIN), jnp.float32),
        mesh=_vec_mesh,
        scratch_types=[
            pltpu.VMEM((grp, _K), jnp.int32),
            pltpu.VMEM((grp, _K), jnp.int32),
            pltpu.VMEM((_K, _DIN), jnp.float32),
            pltpu.VMEM((_K, _DIN), jnp.float32),
            pltpu.VMEM((_ZROWS, _DIN), jnp.float32),
            pltpu.VMEM_SHARED((_NPAD, _DIN), jnp.float32),
            pltpu.SemaphoreType.DMA,
            pltpu.SemaphoreType.DMA,
            pltpu.SemaphoreType.DMA,
            pltpu.SemaphoreType.DMA,
            pltpu.SemaphoreType.DMA,
        ],
    )
    def k(src_hbm, dst_hbm, tab_hbm, out_hbm, src_b, dst_b, rows0, rows1,
          zb, acc, isem0, isem1, gsem0, gsem1, ssem0):
        c = lax.axis_index("c")
        s = lax.axis_index("s")
        rows = (rows0, rows1)
        gsem = (gsem0, gsem1)
        ssem = (isem1, ssem0)

        if edge_split:
            cbase = (c * _NSUB + s) * chunks
            tab = tab_hbm
        else:
            cbase = s * chunks
            tab = tab_hbm.at[c]

        _zero_fill_2d(zb, _ZROWS, _DIN)

        @pl.loop(0, _ROWS_PER_SUB // _ZROWS)
        def _(i):
            pltpu.sync_copy(
                zb, acc.at[pl.ds(s * _ROWS_PER_SUB + i * _ZROWS, _ZROWS)])

        plsc.subcore_barrier()

        def g_start(t, p):
            pltpu.async_copy(tab.at[src_b.at[t]], rows[p], gsem[p])

        def g_wait(t, p):
            pltpu.make_async_copy(tab.at[src_b.at[t]], rows[p],
                                  gsem[p]).wait()

        def s_start(t, p):
            pltpu.async_copy(rows[p], acc.at[dst_b.at[t]], ssem[p], add=True)

        def s_wait(t, p):
            pltpu.make_async_copy(rows[p], acc.at[dst_b.at[t]],
                                  ssem[p]).wait()

        @pl.loop(0, ngroups)
        def _(g):
            gb = cbase + g * grp
            pltpu.async_copy(src_hbm.at[pl.ds(gb, grp)], src_b, isem0)
            pltpu.async_copy(dst_hbm.at[pl.ds(gb, grp)], dst_b, gsem0)
            pltpu.make_async_copy(src_hbm.at[pl.ds(gb, grp)], src_b,
                                  isem0).wait()
            pltpu.make_async_copy(dst_hbm.at[pl.ds(gb, grp)], dst_b,
                                  gsem0).wait()

            g_start(0, 0)
            g_start(1, 1)
            g_wait(0, 0)
            s_start(0, 0)

            @pl.loop(1, grp // 2)
            def _(j):
                for b in range(2):
                    t = 2 * j + b
                    p = b
                    q = 1 - b
                    s_wait(t - 2, p)
                    g_start(t, p)
                    g_wait(t - 1, q)
                    s_start(t - 1, q)

            s_wait(grp - 2, 0)
            g_wait(grp - 1, 1)
            s_start(grp - 1, 1)
            s_wait(grp - 1, 1)

        plsc.subcore_barrier()
        pltpu.sync_copy(
            acc.at[pl.ds(s * _ROWS_PER_SUB, _ROWS_PER_SUB)],
            out_hbm.at[c].at[pl.ds(s * _ROWS_PER_SUB, _ROWS_PER_SUB)],
        )

    return k


_agg_edge_split_call = _make_agg(True)
_agg_feat_split_call = _make_agg(False)


def _scale_body(x_ref, dego_ref, o_ref):
    so = lax.rsqrt(jnp.maximum(dego_ref[...], 1.0))
    o_ref[...] = x_ref[...] * so


def _scale_call(x_pad, deg_o):
    return pl.pallas_call(
        _scale_body,
        grid=(_GRID,),
        in_specs=[
            pl.BlockSpec((_BM, _DIN), lambda i: (i, 0)),
            pl.BlockSpec((_BM, 1), lambda i: (i, 0)),
        ],
        out_specs=pl.BlockSpec((_BM, _DIN), lambda i: (i, 0)),
        out_shape=jax.ShapeDtypeStruct((_NPAD, _DIN), jnp.float32),
    )(x_pad, deg_o)


def _layer1_body(p_ref, degi_ref, dego_ref, w1_ref, b1_ref, o_ref):
    si = lax.rsqrt(jnp.maximum(degi_ref[...], 1.0))
    so = lax.rsqrt(jnp.maximum(dego_ref[...], 1.0))
    agg = (p_ref[0] + p_ref[1]) * si
    z = jnp.dot(agg, w1_ref[...], preferred_element_type=jnp.float32)
    h = jnp.maximum(z + b1_ref[...], 0.0) * so
    o_ref[0] = h[:, :_DIN]
    o_ref[1] = h[:, _DIN:]


def _layer1_call(parts, deg_i, deg_o, W1, b1):
    return pl.pallas_call(
        _layer1_body,
        grid=(_GRID,),
        in_specs=[
            pl.BlockSpec((2, _BM, _DIN), lambda i: (0, i, 0)),
            pl.BlockSpec((_BM, 1), lambda i: (i, 0)),
            pl.BlockSpec((_BM, 1), lambda i: (i, 0)),
            pl.BlockSpec((_DIN, _HID), lambda i: (0, 0)),
            pl.BlockSpec((1, _HID), lambda i: (0, 0)),
        ],
        out_specs=pl.BlockSpec((2, _BM, _DIN), lambda i: (0, i, 0)),
        out_shape=jax.ShapeDtypeStruct((2, _NPAD, _DIN), jnp.float32),
    )(parts, deg_i, deg_o, W1, b1)


def _layer2_body(agg_ref, degi_ref, w2a_ref, w2b_ref, b2_ref, wf_ref, bf_ref,
                 o_ref, acc_ref):
    b = pl.program_id(0)
    si = lax.rsqrt(jnp.maximum(degi_ref[...], 1.0))
    a0 = agg_ref[0] * si
    a1 = agg_ref[1] * si
    z = (jnp.dot(a0, w2a_ref[...], preferred_element_type=jnp.float32)
         + jnp.dot(a1, w2b_ref[...], preferred_element_type=jnp.float32)
         + b2_ref[...])
    h = jnp.maximum(z, 0.0)
    row = b * _BM + lax.broadcasted_iota(jnp.int32, (_BM, 1), 0)
    h = jnp.where(row < _N, h, 0.0)
    colsum = jnp.sum(h, axis=0, keepdims=True)

    @pl.when(b == 0)
    def _():
        acc_ref[...] = colsum

    @pl.when(b > 0)
    def _():
        acc_ref[...] = acc_ref[...] + colsum

    @pl.when(b == _GRID - 1)
    def _():
        hg = acc_ref[...] * (1.0 / _N)
        logit = jnp.dot(hg, wf_ref[...],
                        preferred_element_type=jnp.float32) + bf_ref[...]
        o_ref[...] = 1.0 / (1.0 + jnp.exp(-logit))


def _layer2_call(agg2, deg_i, W2a, W2b, b2, Wf, bf):
    return pl.pallas_call(
        _layer2_body,
        grid=(_GRID,),
        in_specs=[
            pl.BlockSpec((2, _BM, _DIN), lambda i: (0, i, 0)),
            pl.BlockSpec((_BM, 1), lambda i: (i, 0)),
            pl.BlockSpec((_DIN, _HID), lambda i: (0, 0)),
            pl.BlockSpec((_DIN, _HID), lambda i: (0, 0)),
            pl.BlockSpec((1, _HID), lambda i: (0, 0)),
            pl.BlockSpec((_HID, 1), lambda i: (0, 0)),
            pl.BlockSpec((1, 1), lambda i: (0, 0)),
        ],
        out_specs=pl.BlockSpec((1, 1), lambda i: (0, 0)),
        out_shape=jax.ShapeDtypeStruct((1, 1), jnp.float32),
        scratch_shapes=[pltpu.VMEM((1, _HID), jnp.float32)],
    )(agg2, deg_i, W2a, W2b, b2, Wf, bf)


def kernel(x, edge_index, W1, b1, W2, b2, Wf, bf):
    ei = edge_index.astype(jnp.int32)
    pad_fill = _N + jnp.arange(_EPAD - _E, dtype=jnp.int32) % (_NPAD - _N)
    ei = jnp.concatenate(
        [ei, jnp.stack([pad_fill, pad_fill])], axis=1)
    src2 = ei[0].reshape(_ECHUNKS, _K)
    dst2 = ei[1].reshape(_ECHUNKS, _K)
    x_pad = jnp.pad(x, ((0, _NPAD - _N), (0, 0)))

    deg = _deg_call(src2, dst2)
    deg_o = deg[0].reshape(_NPAD, 1)
    deg_i = deg[1].reshape(_NPAD, 1)

    xs = _scale_call(x_pad, deg_o)
    parts = _agg_edge_split_call(src2, dst2, xs)
    h1s = _layer1_call(parts, deg_i, deg_o, W1,
                       b1.reshape(1, _HID))
    agg2 = _agg_feat_split_call(src2, dst2, h1s)
    out = _layer2_call(agg2, deg_i, W2[:_DIN], W2[_DIN:],
                       b2.reshape(1, _HID), Wf, bf.reshape(1, 1))
    return out

# --- scband reference (transcript-rebuilt; emitter-appended) ---
"""Pipeline reference for scband-graph-conv-binary-classifier-12412455485943 (READ-ONLY COPY).

The authoritative reference and input builder live on the scoring server;
editing this copy changes nothing except your own understanding.
"""

import jax, jax.numpy as jnp
import numpy as np

N = 10000
E = 320000
D_IN = 128
HID = 256


def setup_inputs(seed: int = 0) -> dict:
    key = jax.random.key(seed)
    ks = jax.random.split(key, 8)
    x = jax.random.normal(ks[0], (N, D_IN), dtype=jnp.float32)
    edge_index = jax.random.randint(ks[1], (2, E), 0, N, dtype=jnp.int64)
    W1 = jax.random.normal(ks[2], (D_IN, HID), dtype=jnp.float32) * (1.0 / np.sqrt(D_IN))
    b1 = jnp.zeros((HID,), dtype=jnp.float32)
    W2 = jax.random.normal(ks[3], (HID, HID), dtype=jnp.float32) * (1.0 / np.sqrt(HID))
    b2 = jnp.zeros((HID,), dtype=jnp.float32)
    Wf = jax.random.normal(ks[4], (HID, 1), dtype=jnp.float32) * (1.0 / np.sqrt(HID))
    bf = jnp.zeros((1,), dtype=jnp.float32)
    return {"x": x, "edge_index": edge_index, "W1": W1, "b1": b1, "W2": W2, "b2": b2, "Wf": Wf, "bf": bf}


def _graph_conv(x, src, dst, W, b):
    # DGL GraphConv with norm='both': D_dst^{-1/2} A D_src^{-1/2} X W + b
    ones = jnp.ones((src.shape[0],), dtype=x.dtype)
    out_deg = jnp.zeros((N,), dtype=x.dtype).at[src].add(ones)
    in_deg = jnp.zeros((N,), dtype=x.dtype).at[dst].add(ones)
    out_deg = jnp.clip(out_deg, 1.0, None)
    in_deg = jnp.clip(in_deg, 1.0, None)
    h = x * (out_deg ** -0.5)[:, None]
    msg = jnp.take(h, src, axis=0)
    agg = jnp.zeros((N, h.shape[1]), dtype=x.dtype).at[dst].add(msg)
    agg = agg * (in_deg ** -0.5)[:, None]
    return agg @ W + b


def reference(x, edge_index, W1, b1, W2, b2, Wf, bf):
    src = edge_index[0]
    dst = edge_index[1]
    h = jax.nn.relu(_graph_conv(x, src, dst, W1, b1))
    h = jax.nn.relu(_graph_conv(h, src, dst, W2, b2))
    hg = jnp.mean(h, axis=0, keepdims=True)  # dgl.mean_nodes over single graph
    out = hg @ Wf + bf
    return jax.nn.sigmoid(out)

if __name__ == "__main__":
    import jax
    _d = setup_inputs()
    print(jax.jit(kernel)(*tuple(_d.values())))

</pallas_src>

<mosaic_0001>
#map = affine_map<(d0, d1) -> (0, 0)>
module attributes {stable_mosaic.version = 14 : i64} {
  func.func @k(%arg0: i32, %arg1: i32, %arg2: memref<2560x128xi32, #tpu.memory_space<hbm>>, %arg3: memref<2560x128xi32, #tpu.memory_space<hbm>>, %arg4: memref<2x10240xf32, #tpu.memory_space<hbm>>, %arg5: memref<160x128xi32, #tpu.memory_space<vmem>>, %arg6: memref<128xf32, #tpu.memory_space<vmem>>, %arg7: memref<640xf32, #tpu.memory_space<vmem>>, %arg8: memref<10240xf32, #tpu.memory_space<vmem_shared>>, %arg9: memref<!tpu.dma_semaphore, #tpu.memory_space<semaphore_mem>>, %arg10: memref<!tpu.dma_semaphore, #tpu.memory_space<semaphore_mem>>) attributes {dimension_semantics = [#tpu.dimension_semantics<core_parallel>, #tpu.dimension_semantics<subcore_parallel>], iteration_bounds = array<i64: 2, 16>, scalar_prefetch = 0 : i64, scratch_operands = 6 : i64, tpu.core_type = #tpu.core_type<sc_vector_subcore>, window_params = [{transform_indices = #map}, {transform_indices = #map}, {transform_indices = #map}]} {
    %scan3A = arith.constant 0 : i32
    %scan3A_0 = arith.constant 40 : i32
    %scan3A_1 = arith.addi %scan3A, %scan3A_0 : i32
    %scan3A_2 = arith.constant 1 : i32
    scf.for %scan3A_42 = %scan3A to %scan3A_1 step %scan3A_2  : i32 {
      %mul3A_43 = arith.constant 1 : i32
      %mul3A_44 = arith.muli %scan3A_42, %mul3A_43 : i32
      %add3A = arith.constant 0 : i32
      %add3A_45 = arith.addi %add3A, %mul3A_44 : i32
      %broadcast_in_dim3A = arith.constant 0.000000e+00 : f32
      %broadcast_in_dim3A_46 = vector.broadcast %broadcast_in_dim3A : f32 to vector<16xf32>
      %mul3A_47 = arith.constant 16 : i32
      %mul3A_48 = arith.muli %add3A_45, %mul3A_47 : i32
      %swap3A = arith.index_cast %mul3A_48 : i32 to index
      %swap3A_49 = tpu.vector_load %arg7[%swap3A] {strides = array<i32>} : memref<640xf32, #tpu.memory_space<vmem>>, vector<16xf32>,
      %swap3A_50 = vector.shape_cast %swap3A_49 : vector<16xf32> to vector<16xf32>
      %swap3A_51 = vector.shape_cast %broadcast_in_dim3A_46 : vector<16xf32> to vector<16xf32>
      tpu.vector_store %arg7[%swap3A], %swap3A_51 {strides = array<i32>} : memref<640xf32, #tpu.memory_space<vmem>>, vector<16xf32>,
    }
    %scan3A_3 = arith.constant 40 : i32
    %scan3A_4 = arith.constant 0 : i32
    %scan3A_5 = arith.constant 8 : i32
    %scan3A_6 = arith.addi %scan3A_4, %scan3A_5 : i32
    %scan3A_7 = arith.constant 1 : i32
    scf.for %scan3A_42 = %scan3A_4 to %scan3A_6 step %scan3A_7  : i32 {
      %mul3A_43 = arith.constant 1 : i32
      %mul3A_44 = arith.muli %scan3A_42, %mul3A_43 : i32
      %add3A = arith.constant 0 : i32
      %add3A_45 = arith.addi %add3A, %mul3A_44 : i32
      %broadcast_in_dim3A = arith.constant 1.000000e+00 : f32
      %broadcast_in_dim3A_46 = vector.broadcast %broadcast_in_dim3A : f32 to vector<16xf32>
      %mul3A_47 = arith.constant 16 : i32
      %mul3A_48 = arith.muli %add3A_45, %mul3A_47 : i32
      %swap3A = arith.index_cast %mul3A_48 : i32 to index
      %swap3A_49 = tpu.vector_load %arg6[%swap3A] {strides = array<i32>} : memref<128xf32, #tpu.memory_space<vmem>>, vector<16xf32>,
      %swap3A_50 = vector.shape_cast %swap3A_49 : vector<16xf32> to vector<16xf32>
      %swap3A_51 = vector.shape_cast %broadcast_in_dim3A_46 : vector<16xf32> to vector<16xf32>
      tpu.vector_store %arg6[%swap3A], %swap3A_51 {strides = array<i32>} : memref<128xf32, #tpu.memory_space<vmem>>, vector<16xf32>,
    }
    %scan3A_8 = arith.constant 8 : i32
    %mul3A = arith.constant 160 : i32
    %mul3A_9 = arith.muli %arg1, %mul3A : i32
    %eq3A = arith.constant 0 : i32
    %eq3A_10 = arith.cmpi eq, %arg0, %eq3A : i32
    %convert_element_type3A = arith.extui %eq3A_10 : i1 to i32
    %cond3A = arith.constant 0 : i32
    %cond3A_11 = arith.cmpi ne, %convert_element_type3A, %cond3A : i32
    scf.if %cond3A_11 {
      %dma_start3A = arith.constant 0 : i32
      %dma_start3A_42 = tpu.memref_slice %arg2[%mul3A_9, %dma_start3A] : memref<2560x128xi32, #tpu.memory_space<hbm>> -> memref<160x128xi32, #tpu.memory_space<hbm>>
      %dma_start3A_43 = arith.constant 0 : i32
      %dma_start3A_44 = tpu.memref_slice %arg2[%mul3A_9, %dma_start3A_43] : memref<2560x128xi32, #tpu.memory_space<hbm>> -> memref<160x128xi32, #tpu.memory_space<hbm>>
      tpu.enqueue_dma source(%dma_start3A_44 : memref<160x128xi32, #tpu.memory_space<hbm>>) target(%arg5 : memref<160x128xi32, #tpu.memory_space<vmem>>) target_semaphore(%arg9 : memref<!tpu.dma_semaphore, #tpu.memory_space<semaphore_mem>>)
    } else {
    }
    %eq3A_12 = arith.constant 1 : i32
    %eq3A_13 = arith.cmpi eq, %arg0, %eq3A_12 : i32
    %convert_element_type3A_14 = arith.extui %eq3A_13 : i1 to i32
    %cond3A_15 = arith.constant 0 : i32
    %cond3A_16 = arith.cmpi ne, %convert_element_type3A_14, %cond3A_15 : i32
    scf.if %cond3A_16 {
      %dma_start3A = arith.constant 0 : i32
      %dma_start3A_42 = tpu.memref_slice %arg3[%mul3A_9, %dma_start3A] : memref<2560x128xi32, #tpu.memory_space<hbm>> -> memref<160x128xi32, #tpu.memory_space<hbm>>
      %dma_start3A_43 = arith.constant 0 : i32
      %dma_start3A_44 = tpu.memref_slice %arg3[%mul3A_9, %dma_start3A_43] : memref<2560x128xi32, #tpu.memory_space<hbm>> -> memref<160x128xi32, #tpu.memory_space<hbm>>
      tpu.enqueue_dma source(%dma_start3A_44 : memref<160x128xi32, #tpu.memory_space<hbm>>) target(%arg5 : memref<160x128xi32, #tpu.memory_space<vmem>>) target_semaphore(%arg9 : memref<!tpu.dma_semaphore, #tpu.memory_space<semaphore_mem>>)
    } else {
    }
    %mul3A_17 = arith.constant 640 : i32
    %mul3A_18 = arith.muli %arg1, %mul3A_17 : i32
    "tpu.region"() ({
      %run_scoped3A = tpu.sem_alloc : memref<!tpu.dma_semaphore, #tpu.memory_space<semaphore_mem>>
      %dma_start3A = tpu.memref_slice %arg8[%mul3A_18] : memref<10240xf32, #tpu.memory_space<vmem_shared>> -> memref<640xf32, #tpu.memory_space<vmem_shared>>
      %dma_start3A_42 = tpu.memref_slice %arg8[%mul3A_18] : memref<10240xf32, #tpu.memory_space<vmem_shared>> -> memref<640xf32, #tpu.memory_space<vmem_shared>>
      tpu.enqueue_dma source(%arg7 : memref<640xf32, #tpu.memory_space<vmem>>) target(%dma_start3A_42 : memref<640xf32, #tpu.memory_space<vmem_shared>>) target_semaphore(%run_scoped3A : memref<!tpu.dma_semaphore, #tpu.memory_space<semaphore_mem>>)
      %dma_wait3A_43 = tpu.memref_slice %arg8[%mul3A_18] : memref<10240xf32, #tpu.memory_space<vmem_shared>> -> memref<640xf32, #tpu.memory_space<vmem_shared>>
      %dma_wait3A_44 = tpu.memref_slice %arg8[%mul3A_18] : memref<10240xf32, #tpu.memory_space<vmem_shared>> -> memref<640xf32, #tpu.memory_space<vmem_shared>>
      tpu.wait_dma2 semaphore(%run_scoped3A : memref<!tpu.dma_semaphore, #tpu.memory_space<semaphore_mem>>) src(%arg7 : memref<640xf32, #tpu.memory_space<vmem>>) dst(%dma_wait3A_44 : memref<640xf32, #tpu.memory_space<vmem_shared>>)
      tpu.yield
    }) : () -> ()
    %dma_wait3A = arith.constant 0 : i32
    %dma_wait3A_19 = tpu.memref_slice %arg2[%mul3A_9, %dma_wait3A] : memref<2560x128xi32, #tpu.memory_space<hbm>> -> memref<160x128xi32, #tpu.memory_space<hbm>>
    %dma_wait3A_20 = arith.constant 0 : i32
    %dma_wait3A_21 = tpu.memref_slice %arg2[%mul3A_9, %dma_wait3A_20] : memref<2560x128xi32, #tpu.memory_space<hbm>> -> memref<160x128xi32, #tpu.memory_space<hbm>>
    tpu.wait_dma2 semaphore(%arg9 : memref<!tpu.dma_semaphore, #tpu.memory_space<semaphore_mem>>) src(%dma_wait3A_21 : memref<160x128xi32, #tpu.memory_space<hbm>>) dst(%arg5 : memref<160x128xi32, #tpu.memory_space<vmem>>)
    %barrier3A = arith.constant 0 : index
    tpu.barrier barrier_id(%barrier3A)
    %scan3A_22 = arith.constant 0 : i32
    %scan3A_23 = arith.constant 8 : i32
    %scan3A_24 = arith.addi %scan3A_22, %scan3A_23 : i32
    %scan3A_25 = arith.constant 1 : i32
    scf.for %scan3A_42 = %scan3A_22 to %scan3A_24 step %scan3A_25  : i32 {
      %mul3A_43 = arith.constant 1 : i32
      %mul3A_44 = arith.muli %scan3A_42, %mul3A_43 : i32
      %add3A = arith.constant 0 : i32
      %add3A_45 = arith.addi %add3A, %mul3A_44 : i32
      %dma_start3A = arith.constant 0 : i32
      %dma_start3A_46 = tpu.memref_slice %arg5[%add3A_45, %dma_start3A] : memref<160x128xi32, #tpu.memory_space<vmem>> -> memref<1x128xi32, #tpu.memory_space<vmem>>
      %dma_start3A_47 = tpu.memref_squeeze %dma_start3A_46 : memref<1x128xi32, #tpu.memory_space<vmem>> -> memref<128xi32, #tpu.memory_space<vmem>>
      %dma_start3A_48 = arith.constant 0 : i32
      %dma_start3A_49 = tpu.memref_slice %arg8[%dma_start3A_48] : memref<10240xf32, #tpu.memory_space<vmem_shared>> -> memref<10240xf32, #tpu.memory_space<vmem_shared>>
      tpu.enqueue_indirect_dma source(%arg6 : memref<128xf32, #tpu.memory_space<vmem>>) target(%dma_start3A_49 : memref<10240xf32, #tpu.memory_space<vmem_shared>>) offsets(%dma_start3A_47 : memref<128xi32, #tpu.memory_space<vmem>>) semaphore(%arg10 : memref<!tpu.dma_semaphore, #tpu.memory_space<semaphore_mem>>) {add = true}
    }
    %scan3A_26 = arith.constant 8 : i32
    %scan3A_27 = arith.constant 0 : i32
    %scan3A_28 = arith.constant 152 : i32
    %scan3A_29 = arith.addi %scan3A_27, %scan3A_28 : i32
    %scan3A_30 = arith.constant 1 : i32
    scf.for %scan3A_42 = %scan3A_27 to %scan3A_29 step %scan3A_30  : i32 {
      %mul3A_43 = arith.constant 1 : i32
      %mul3A_44 = arith.muli %scan3A_42, %mul3A_43 : i32
      %add3A = arith.constant 8 : i32
      %add3A_45 = arith.addi %add3A, %mul3A_44 : i32
      %sub3A = arith.constant 8 : i32
      %sub3A_46 = arith.subi %add3A_45, %sub3A : i32
      %dma_wait3A_47 = arith.constant 0 : i32
      %dma_wait3A_48 = tpu.memref_slice %arg5[%sub3A_46, %dma_wait3A_47] : memref<160x128xi32, #tpu.memory_space<vmem>> -> memref<1x128xi32, #tpu.memory_space<vmem>>
      %dma_wait3A_49 = tpu.memref_squeeze %dma_wait3A_48 : memref<1x128xi32, #tpu.memory_space<vmem>> -> memref<128xi32, #tpu.memory_space<vmem>>
      %dma_wait3A_50 = arith.constant 0 : i32
      %dma_wait3A_51 = tpu.memref_slice %arg8[%dma_wait3A_50] : memref<10240xf32, #tpu.memory_space<vmem_shared>> -> memref<10240xf32, #tpu.memory_space<vmem_shared>>
      tpu.wait_indirect_dma semaphore(%arg10 : memref<!tpu.dma_semaphore, #tpu.memory_space<semaphore_mem>>) src(%arg6 : memref<128xf32, #tpu.memory_space<vmem>>) dst(%dma_wait3A_51 : memref<10240xf32, #tpu.memory_space<vmem_shared>>)
      %dma_start3A = arith.constant 0 : i32
      %dma_start3A_52 = tpu.memref_slice %arg5[%add3A_45, %dma_start3A] : memref<160x128xi32, #tpu.memory_space<vmem>> -> memref<1x128xi32, #tpu.memory_space<vmem>>
      %dma_start3A_53 = tpu.memref_squeeze %dma_start3A_52 : memref<1x128xi32, #tpu.memory_space<vmem>> -> memref<128xi32, #tpu.memory_space<vmem>>
      %dma_start3A_54 = arith.constant 0 : i32
      %dma_start3A_55 = tpu.memref_slice %arg8[%dma_start3A_54] : memref<10240xf32, #tpu.memory_space<vmem_shared>> -> memref<10240xf32, #tpu.memory_space<vmem_shared>>
      tpu.enqueue_indirect_dma source(%arg6 : memref<128xf32, #tpu.memory_space<vmem>>) target(%dma_start3A_55 : memref<10240xf32, #tpu.memory_space<vmem_shared>>) offsets(%dma_start3A_53 : memref<128xi32, #tpu.memory_space<vmem>>) semaphore(%arg10 : memref<!tpu.dma_semaphore, #tpu.memory_space<semaphore_mem>>) {add = true}
    }
    %scan3A_31 = arith.constant 152 : i32
    %scan3A_32 = arith.constant 0 : i32
    %scan3A_33 = arith.constant 8 : i32
    %scan3A_34 = arith.addi %scan3A_32, %scan3A_33 : i32
    %scan3A_35 = arith.constant 1 : i32
    scf.for %scan3A_42 = %scan3A_32 to %scan3A_34 step %scan3A_35  : i32 {
      %mul3A_43 = arith.constant 1 : i32
      %mul3A_44 = arith.muli %scan3A_42, %mul3A_43 : i32
      %add3A = arith.constant 152 : i32
      %add3A_45 = arith.addi %add3A, %mul3A_44 : i32
      %dma_wait3A_46 = arith.constant 0 : i32
      %dma_wait3A_47 = tpu.memref_slice %arg5[%add3A_45, %dma_wait3A_46] : memref<160x128xi32, #tpu.memory_space<vmem>> -> memref<1x128xi32, #tpu.memory_space<vmem>>
      %dma_wait3A_48 = tpu.memref_squeeze %dma_wait3A_47 : memref<1x128xi32, #tpu.memory_space<vmem>> -> memref<128xi32, #tpu.memory_space<vmem>>
      %dma_wait3A_49 = arith.constant 0 : i32
      %dma_wait3A_50 = tpu.memref_slice %arg8[%dma_wait3A_49] : memref<10240xf32, #tpu.memory_space<vmem_shared>> -> memref<10240xf32, #tpu.memory_space<vmem_shared>>
      tpu.wait_indirect_dma semaphore(%arg10 : memref<!tpu.dma_semaphore, #tpu.memory_space<semaphore_mem>>) src(%arg6 : memref<128xf32, #tpu.memory_space<vmem>>) dst(%dma_wait3A_50 : memref<10240xf32, #tpu.memory_space<vmem_shared>>)
    }
    %scan3A_36 = arith.constant 8 : i32
    %barrier3A_37 = arith.constant 0 : index
    tpu.barrier barrier_id(%barrier3A_37)
    %mul3A_38 = arith.constant 640 : i32
    %mul3A_39 = arith.muli %arg1, %mul3A_38 : i32
    %mul3A_40 = arith.constant 640 : i32
    %mul3A_41 = arith.muli %arg1, %mul3A_40 : i32
    "tpu.region"() ({
      %run_scoped3A = tpu.sem_alloc : memref<!tpu.dma_semaphore, #tpu.memory_space<semaphore_mem>>
      %dma_start3A = arith.constant 0 : i32
      %dma_start3A_42 = tpu.memref_slice %arg4[%arg0, %dma_start3A] : memref<2x10240xf32, #tpu.memory_space<hbm>> -> memref<1x10240xf32, #tpu.memory_space<hbm>>
      %dma_start3A_43 = tpu.memref_squeeze %dma_start3A_42 : memref<1x10240xf32, #tpu.memory_space<hbm>> -> memref<10240xf32, #tpu.memory_space<hbm>>
      %dma_start3A_44 = tpu.memref_slice %dma_start3A_43[%mul3A_41] : memref<10240xf32, #tpu.memory_space<hbm>> -> memref<640xf32, #tpu.memory_space<hbm>>
      %dma_start3A_45 = tpu.memref_slice %arg8[%mul3A_39] : memref<10240xf32, #tpu.memory_space<vmem_shared>> -> memref<640xf32, #tpu.memory_space<vmem_shared>>
      tpu.enqueue_dma source(%dma_start3A_45 : memref<640xf32, #tpu.memory_space<vmem_shared>>) target(%dma_start3A_44 : memref<640xf32, #tpu.memory_space<hbm>>) target_semaphore(%run_scoped3A : memref<!tpu.dma_semaphore, #tpu.memory_space<semaphore_mem>>)
      %dma_wait3A_46 = arith.constant 0 : i32
      %dma_wait3A_47 = tpu.memref_slice %arg4[%arg0, %dma_wait3A_46] : memref<2x10240xf32, #tpu.memory_space<hbm>> -> memref<1x10240xf32, #tpu.memory_space<hbm>>
      %dma_wait3A_48 = tpu.memref_squeeze %dma_wait3A_47 : memref<1x10240xf32, #tpu.memory_space<hbm>> -> memref<10240xf32, #tpu.memory_space<hbm>>
      %dma_wait3A_49 = tpu.memref_slice %dma_wait3A_48[%mul3A_41] : memref<10240xf32, #tpu.memory_space<hbm>> -> memref<640xf32, #tpu.memory_space<hbm>>
      %dma_wait3A_50 = tpu.memref_slice %arg8[%mul3A_39] : memref<10240xf32, #tpu.memory_space<vmem_shared>> -> memref<640xf32, #tpu.memory_space<vmem_shared>>
      tpu.wait_dma2 semaphore(%run_scoped3A : memref<!tpu.dma_semaphore, #tpu.memory_space<semaphore_mem>>) src(%dma_wait3A_50 : memref<640xf32, #tpu.memory_space<vmem_shared>>) dst(%dma_wait3A_49 : memref<640xf32, #tpu.memory_space<hbm>>)
      tpu.yield
    }) : () -> ()
    return
  }
}

#map = affine_map<(d0, d1) -> (0, 0)>
#map1 = affine_map<(d0, d1) -> (0, 0, 0)>
module attributes {stable_mosaic.version = 14 : i64} {
  func.func @k(%arg0: i32, %arg1: i32, %arg2: memref<2560x128xi32, #tpu.memory_space<hbm>>, %arg3: memref<2560x128xi32, #tpu.memory_space<hbm>>, %arg4: memref<10240x128xf32, #tpu.memory_space<hbm>>, %arg5: memref<2x10240x128xf32, #tpu.memory_space<hbm>>, %arg6: memref<40x128xi32, #tpu.memory_space<vmem>>, %arg7: memref<40x128xi32, #tpu.memory_space<vmem>>, %arg8: memref<128x128xf32, #tpu.memory_space<vmem>>, %arg9: memref<128x128xf32, #tpu.memory_space<vmem>>, %arg10: memref<32x128xf32, #tpu.memory_space<vmem>>, %arg11: memref<10240x128xf32, #tpu.memory_space<vmem_shared>>, %arg12: memref<!tpu.dma_semaphore, #tpu.memory_space<semaphore_mem>>, %arg13: memref<!tpu.dma_semaphore, #tpu.memory_space<semaphore_mem>>, %arg14: memref<!tpu.dma_semaphore, #tpu.memory_space<semaphore_mem>>, %arg15: memref<!tpu.dma_semaphore, #tpu.memory_space<semaphore_mem>>, %arg16: memref<!tpu.dma_semaphore, #tpu.memory_space<semaphore_mem>>) attributes {dimension_semantics = [#tpu.dimension_semantics<core_parallel>, #tpu.dimension_semantics<subcore_parallel>], iteration_bounds = array<i64: 2, 16>, scalar_prefetch = 0 : i64, scratch_operands = 11 : i64, tpu.core_type = #tpu.core_type<sc_vector_subcore>, window_params = [{transform_indices = #map}, {transform_indices = #map}, {transform_indices = #map}, {transform_indices = #map1}]} {
    %mul3A = arith.constant 16 : i32
    %mul3A_0 = arith.muli %arg0, %mul3A : i32
    %add3A = arith.addi %mul3A_0, %arg1 : i32
    %mul3A_1 = arith.constant 80 : i32
    %mul3A_2 = arith.muli %add3A, %mul3A_1 : i32
    %scan3A = arith.constant 0 : i32
    %scan3A_3 = arith.constant 32 : i32
    %scan3A_4 = arith.addi %scan3A, %scan3A_3 : i32
    %scan3A_5 = arith.constant 1 : i32
    scf.for %scan3A_22 = %scan3A to %scan3A_4 step %scan3A_5  : i32 {
      %mul3A_23 = arith.constant 1 : i32
      %mul3A_24 = arith.muli %scan3A_22, %mul3A_23 : i32
      %add3A_25 = arith.constant 0 : i32
      %add3A_26 = arith.addi %add3A_25, %mul3A_24 : i32
      %scan3A_27 = arith.constant 0 : i32
      %scan3A_28 = arith.constant 8 : i32
      %scan3A_29 = arith.addi %scan3A_27, %scan3A_28 : i32
      %scan3A_30 = arith.constant 1 : i32
      scf.for %scan3A_32 = %scan3A_27 to %scan3A_29 step %scan3A_30  : i32 {
        %mul3A_33 = arith.constant 1 : i32
        %mul3A_34 = arith.muli %scan3A_32, %mul3A_33 : i32
        %add3A_35 = arith.constant 0 : i32
        %add3A_36 = arith.addi %add3A_35, %mul3A_34 : i32
        %broadcast_in_dim3A = arith.constant 0.000000e+00 : f32
        %broadcast_in_dim3A_37 = vector.broadcast %broadcast_in_dim3A : f32 to vector<16xf32>
        %mul3A_38 = arith.constant 16 : i32
        %mul3A_39 = arith.muli %add3A_36, %mul3A_38 : i32
        %swap3A = arith.index_cast %add3A_26 : i32 to index
        %swap3A_40 = arith.index_cast %mul3A_39 : i32 to index
        %swap3A_41 = tpu.vector_load %arg10[%swap3A, %swap3A_40] {strides = array<i32>} : memref<32x128xf32, #tpu.memory_space<vmem>>, vector<1x16xf32>,
        %swap3A_42 = vector.shape_cast %swap3A_41 : vector<1x16xf32> to vector<16xf32>
        %swap3A_43 = vector.shape_cast %broadcast_in_dim3A_37 : vector<16xf32> to vector<1x16xf32>
        tpu.vector_store %arg10[%swap3A, %swap3A_40], %swap3A_43 {strides = array<i32>} : memref<32x128xf32, #tpu.memory_space<vmem>>, vector<1x16xf32>,
      }
      %scan3A_31 = arith.constant 8 : i32
    }
    %scan3A_6 = arith.constant 32 : i32
    %scan3A_7 = arith.constant 0 : i32
    %scan3A_8 = arith.constant 20 : i32
    %scan3A_9 = arith.addi %scan3A_7, %scan3A_8 : i32
    %scan3A_10 = arith.constant 1 : i32
    scf.for %scan3A_22 = %scan3A_7 to %scan3A_9 step %scan3A_10  : i32 {
      %mul3A_23 = arith.constant 1 : i32
      %mul3A_24 = arith.muli %scan3A_22, %mul3A_23 : i32
      %add3A_25 = arith.constant 0 : i32
      %add3A_26 = arith.addi %add3A_25, %mul3A_24 : i32
      %mul3A_27 = arith.constant 640 : i32
      %mul3A_28 = arith.muli %arg1, %mul3A_27 : i32
      %mul3A_29 = arith.constant 32 : i32
      %mul3A_30 = arith.muli %add3A_26, %mul3A_29 : i32
      %add3A_31 = arith.addi %mul3A_28, %mul3A_30 : i32
      "tpu.region"() ({
        %run_scoped3A = tpu.sem_alloc : memref<!tpu.dma_semaphore, #tpu.memory_space<semaphore_mem>>
        %dma_start3A = arith.constant 0 : i32
        %dma_start3A_32 = tpu.memref_slice %arg11[%add3A_31, %dma_start3A] : memref<10240x128xf32, #tpu.memory_space<vmem_shared>> -> memref<32x128xf32, #tpu.memory_space<vmem_shared>>
        %dma_start3A_33 = arith.constant 0 : i32
        %dma_start3A_34 = tpu.memref_slice %arg11[%add3A_31, %dma_start3A_33] : memref<10240x128xf32, #tpu.memory_space<vmem_shared>> -> memref<32x128xf32, #tpu.memory_space<vmem_shared>>
        tpu.enqueue_dma source(%arg10 : memref<32x128xf32, #tpu.memory_space<vmem>>) target(%dma_start3A_34 : memref<32x128xf32, #tpu.memory_space<vmem_shared>>) target_semaphore(%run_scoped3A : memref<!tpu.dma_semaphore, #tpu.memory_space<semaphore_mem>>)
        %dma_wait3A = arith.constant 0 : i32
        %dma_wait3A_35 = tpu.memref_slice %arg11[%add3A_31, %dma_wait3A] : memref<10240x128xf32, #tpu.memory_space<vmem_shared>> -> memref<32x128xf32, #tpu.memory_space<vmem_shared>>
        %dma_wait3A_36 = arith.constant 0 : i32
        %dma_wait3A_37 = tpu.memref_slice %arg11[%add3A_31, %dma_wait3A_36] : memref<10240x128xf32, #tpu.memory_space<vmem_shared>> -> memref<32x128xf32, #tpu.memory_space<vmem_shared>>
        tpu.wait_dma2 semaphore(%run_scoped3A : memref<!tpu.dma_semaphore, #tpu.memory_space<semaphore_mem>>) src(%arg10 : memref<32x128xf32, #tpu.memory_space<vmem>>) dst(%dma_wait3A_37 : memref<32x128xf32, #tpu.memory_space<vmem_shared>>)
        tpu.yield
      }) : () -> ()
    }
    %scan3A_11 = arith.constant 20 : i32
    %barrier3A = arith.constant 0 : index
    tpu.barrier barrier_id(%barrier3A)
    %scan3A_12 = arith.constant 0 : i32
    %scan3A_13 = arith.constant 2 : i32
    %scan3A_14 = arith.addi %scan3A_12, %scan3A_13 : i32
    %scan3A_15 = arith.constant 1 : i32
    scf.for %scan3A_22 = %scan3A_12 to %scan3A_14 step %scan3A_15  : i32 {
      %mul3A_23 = arith.constant 1 : i32
      %mul3A_24 = arith.muli %scan3A_22, %mul3A_23 : i32
      %add3A_25 = arith.constant 0 : i32
      %add3A_26 = arith.addi %add3A_25, %mul3A_24 : i32
      %mul3A_27 = arith.constant 40 : i32
      %mul3A_28 = arith.muli %add3A_26, %mul3A_27 : i32
      %add3A_29 = arith.addi %mul3A_2, %mul3A_28 : i32
      %dma_start3A = arith.constant 0 : i32
      %dma_start3A_30 = tpu.memref_slice %arg2[%add3A_29, %dma_start3A] : memref<2560x128xi32, #tpu.memory_space<hbm>> -> memref<40x128xi32, #tpu.memory_space<hbm>>
      %dma_start3A_31 = arith.constant 0 : i32
      %dma_start3A_32 = tpu.memref_slice %arg2[%add3A_29, %dma_start3A_31] : memref<2560x128xi32, #tpu.memory_space<hbm>> -> memref<40x128xi32, #tpu.memory_space<hbm>>
      tpu.enqueue_dma source(%dma_start3A_32 : memref<40x128xi32, #tpu.memory_space<hbm>>) target(%arg6 : memref<40x128xi32, #tpu.memory_space<vmem>>) target_semaphore(%arg12 : memref<!tpu.dma_semaphore, #tpu.memory_space<semaphore_mem>>)
      %dma_start3A_33 = arith.constant 0 : i32
      %dma_start3A_34 = tpu.memref_slice %arg3[%add3A_29, %dma_start3A_33] : memref<2560x128xi32, #tpu.memory_space<hbm>> -> memref<40x128xi32, #tpu.memory_space<hbm>>
      %dma_start3A_35 = arith.constant 0 : i32
      %dma_start3A_36 = tpu.memref_slice %arg3[%add3A_29, %dma_start3A_35] : memref<2560x128xi32, #tpu.memory_space<hbm>> -> memref<40x128xi32, #tpu.memory_space<hbm>>
      tpu.enqueue_dma source(%dma_start3A_36 : memref<40x128xi32, #tpu.memory_space<hbm>>) target(%arg7 : memref<40x128xi32, #tpu.memory_space<vmem>>) target_semaphore(%arg14 : memref<!tpu.dma_semaphore, #tpu.memory_space<semaphore_mem>>)
      %dma_wait3A = arith.constant 0 : i32
      %dma_wait3A_37 = tpu.memref_slice %arg2[%add3A_29, %dma_wait3A] : memref<2560x128xi32, #tpu.memory_space<hbm>> -> memref<40x128xi32, #tpu.memory_space<hbm>>
      %dma_wait3A_38 = arith.constant 0 : i32
      %dma_wait3A_39 = tpu.memref_slice %arg2[%add3A_29, %dma_wait3A_38] : memref<2560x128xi32, #tpu.memory_space<hbm>> -> memref<40x128xi32, #tpu.memory_space<hbm>>
      tpu.wait_dma2 semaphore(%arg12 : memref<!tpu.dma_semaphore, #tpu.memory_space<semaphore_mem>>) src(%dma_wait3A_39 : memref<40x128xi32, #tpu.memory_space<hbm>>) dst(%arg6 : memref<40x128xi32, #tpu.memory_space<vmem>>)
      %dma_wait3A_40 = arith.constant 0 : i32
      %dma_wait3A_41 = tpu.memref_slice %arg3[%add3A_29, %dma_wait3A_40] : memref<2560x128xi32, #tpu.memory_space<hbm>> -> memref<40x128xi32, #tpu.memory_space<hbm>>
      %dma_wait3A_42 = arith.constant 0 : i32
      %dma_wait3A_43 = tpu.memref_slice %arg3[%add3A_29, %dma_wait3A_42] : memref<2560x128xi32, #tpu.memory_space<hbm>> -> memref<40x128xi32, #tpu.memory_space<hbm>>
      tpu.wait_dma2 semaphore(%arg14 : memref<!tpu.dma_semaphore, #tpu.memory_space<semaphore_mem>>) src(%dma_wait3A_43 : memref<40x128xi32, #tpu.memory_space<hbm>>) dst(%arg7 : memref<40x128xi32, #tpu.memory_space<vmem>>)
      %dma_start3A_44 = arith.constant 0 : i32
      %dma_start3A_45 = arith.constant 0 : i32
      %dma_start3A_46 = tpu.memref_slice %arg6[%dma_start3A_44, %dma_start3A_45] : memref<40x128xi32, #tpu.memory_space<vmem>> -> memref<1x128xi32, #tpu.memory_space<vmem>>
      %dma_start3A_47 = tpu.memref_squeeze %dma_start3A_46 : memref<1x128xi32, #tpu.memory_space<vmem>> -> memref<128xi32, #tpu.memory_space<vmem>>
      %dma_start3A_48 = arith.constant 0 : i32
      %dma_start3A_49 = arith.constant 0 : i32
      %dma_start3A_50 = tpu.memref_slice %arg4[%dma_start3A_48, %dma_start3A_49] : memref<10240x128xf32, #tpu.memory_space<hbm>> -> memref<10240x128xf32, #tpu.memory_space<hbm>>
      tpu.enqueue_indirect_dma source(%dma_start3A_50 : memref<10240x128xf32, #tpu.memory_space<hbm>>) target(%arg8 : memref<128x128xf32, #tpu.memory_space<vmem>>) offsets(%dma_start3A_47 : memref<128xi32, #tpu.memory_space<vmem>>) semaphore(%arg14 : memref<!tpu.dma_semaphore, #tpu.memory_space<semaphore_mem>>)
      %dma_start3A_51 = arith.constant 1 : i32
      %dma_start3A_52 = arith.constant 0 : i32
      %dma_start3A_53 = tpu.memref_slice %arg6[%dma_start3A_51, %dma_start3A_52] : memref<40x128xi32, #tpu.memory_space<vmem>> -> memref<1x128xi32, #tpu.memory_space<vmem>>
      %dma_start3A_54 = tpu.memref_squeeze %dma_start3A_53 : memref<1x128xi32, #tpu.memory_space<vmem>> -> memref<128xi32, #tpu.memory_space<vmem>>
      %dma_start3A_55 = arith.constant 0 : i32
      %dma_start3A_56 = arith.constant 0 : i32
      %dma_start3A_57 = tpu.memref_slice %arg4[%dma_start3A_55, %dma_start3A_56] : memref<10240x128xf32, #tpu.memory_space<hbm>> -> memref<10240x128xf32, #tpu.memory_space<hbm>>
      tpu.enqueue_indirect_dma source(%dma_start3A_57 : memref<10240x128xf32, #tpu.memory_space<hbm>>) target(%arg9 : memref<128x128xf32, #tpu.memory_space<vmem>>) offsets(%dma_start3A_54 : memref<128xi32, #tpu.memory_space<vmem>>) semaphore(%arg15 : memref<!tpu.dma_semaphore, #tpu.memory_space<semaphore_mem>>)
      %dma_wait3A_58 = arith.constant 0 : i32
      %dma_wait3A_59 = arith.constant 0 : i32
      %dma_wait3A_60 = tpu.memref_slice %arg6[%dma_wait3A_58, %dma_wait3A_59] : memref<40x128xi32, #tpu.memory_space<vmem>> -> memref<1x128xi32, #tpu.memory_space<vmem>>
      %dma_wait3A_61 = tpu.memref_squeeze %dma_wait3A_60 : memref<1x128xi32, #tpu.memory_space<vmem>> -> memref<128xi32, #tpu.memory_space<vmem>>
      %dma_wait3A_62 = arith.constant 0 : i32
      %dma_wait3A_63 = arith.constant 0 : i32
      %dma_wait3A_64 = tpu.memref_slice %arg4[%dma_wait3A_62, %dma_wait3A_63] : memref<10240x128xf32, #tpu.memory_space<hbm>> -> memref<10240x128xf32, #tpu.memory_space<hbm>>
      tpu.wait_indirect_dma semaphore(%arg14 : memref<!tpu.dma_semaphore, #tpu.memory_space<semaphore_mem>>) src(%dma_wait3A_64 : memref<10240x128xf32, #tpu.memory_space<hbm>>) dst(%arg8 : memref<128x128xf32, #tpu.memory_space<vmem>>)
      %dma_start3A_65 = arith.constant 0 : i32
      %dma_start3A_66 = arith.constant 0 : i32
      %dma_start3A_67 = tpu.memref_slice %arg7[%dma_start3A_65, %dma_start3A_66] : memref<40x128xi32, #tpu.memory_space<vmem>> -> memref<1x128xi32, #tpu.memory_space<vmem>>
      %dma_start3A_68 = tpu.memref_squeeze %dma_start3A_67 : memref<1x128xi32, #tpu.memory_space<vmem>> -> memref<128xi32, #tpu.memory_space<vmem>>
      %dma_start3A_69 = arith.constant 0 : i32
      %dma_start3A_70 = arith.constant 0 : i32
      %dma_start3A_71 = tpu.memref_slice %arg11[%dma_start3A_69, %dma_start3A_70] : memref<10240x128xf32, #tpu.memory_space<vmem_shared>> -> memref<10240x128xf32, #tpu.memory_space<vmem_shared>>
      tpu.enqueue_indirect_dma source(%arg8 : memref<128x128xf32, #tpu.memory_space<vmem>>) target(%dma_start3A_71 : memref<10240x128xf32, #tpu.memory_space<vmem_shared>>) offsets(%dma_start3A_68 : memref<128xi32, #tpu.memory_space<vmem>>) semaphore(%arg13 : memref<!tpu.dma_semaphore, #tpu.memory_space<semaphore_mem>>) {add = true}
      %scan3A_72 = arith.constant 0 : i32
      %scan3A_73 = arith.constant 19 : i32
      %scan3A_74 = arith.addi %scan3A_72, %scan3A_73 : i32
      %scan3A_75 = arith.constant 1 : i32
      scf.for %scan3A_105 = %scan3A_72 to %scan3A_74 step %scan3A_75  : i32 {
        %mul3A_106 = arith.constant 1 : i32
        %mul3A_107 = arith.muli %scan3A_105, %mul3A_106 : i32
        %add3A_108 = arith.constant 1 : i32
        %add3A_109 = arith.addi %add3A_108, %mul3A_107 : i32
        %mul3A_110 = arith.constant 2 : i32
        %mul3A_111 = arith.muli %mul3A_110, %add3A_109 : i32
        %add3A_112 = arith.constant 0 : i32
        %add3A_113 = arith.addi %mul3A_111, %add3A_112 : i32
        %sub3A = arith.constant 2 : i32
        %sub3A_114 = arith.subi %add3A_113, %sub3A : i32
        %dma_wait3A_115 = arith.constant 0 : i32
        %dma_wait3A_116 = tpu.memref_slice %arg7[%sub3A_114, %dma_wait3A_115] : memref<40x128xi32, #tpu.memory_space<vmem>> -> memref<1x128xi32, #tpu.memory_space<vmem>>
        %dma_wait3A_117 = tpu.memref_squeeze %dma_wait3A_116 : memref<1x128xi32, #tpu.memory_space<vmem>> -> memref<128xi32, #tpu.memory_space<vmem>>
        %dma_wait3A_118 = arith.constant 0 : i32
        %dma_wait3A_119 = arith.constant 0 : i32
        %dma_wait3A_120 = tpu.memref_slice %arg11[%dma_wait3A_118, %dma_wait3A_119] : memref<10240x128xf32, #tpu.memory_space<vmem_shared>> -> memref<10240x128xf32, #tpu.memory_space<vmem_shared>>
        tpu.wait_indirect_dma semaphore(%arg13 : memref<!tpu.dma_semaphore, #tpu.memory_space<semaphore_mem>>) src(%arg8 : memref<128x128xf32, #tpu.memory_space<vmem>>) dst(%dma_wait3A_120 : memref<10240x128xf32, #tpu.memory_space<vmem_shared>>)
        %dma_start3A_121 = arith.constant 0 : i32
        %dma_start3A_122 = tpu.memref_slice %arg6[%add3A_113, %dma_start3A_121] : memref<40x128xi32, #tpu.memory_space<vmem>> -> memref<1x128xi32, #tpu.memory_space<vmem>>
        %dma_start3A_123 = tpu.memref_squeeze %dma_start3A_122 : memref<1x128xi32, #tpu.memory_space<vmem>> -> memref<128xi32, #tpu.memory_space<vmem>>
        %dma_start3A_124 = arith.constant 0 : i32
        %dma_start3A_125 = arith.constant 0 : i32
        %dma_start3A_126 = tpu.memref_slice %arg4[%dma_start3A_124, %dma_start3A_125] : memref<10240x128xf32, #tpu.memory_space<hbm>> -> memref<10240x128xf32, #tpu.memory_space<hbm>>
        tpu.enqueue_indirect_dma source(%dma_start3A_126 : memref<10240x128xf32, #tpu.memory_space<hbm>>) target(%arg8 : memref<128x128xf32, #tpu.memory_space<vmem>>) offsets(%dma_start3A_123 : memref<128xi32, #tpu.memory_space<vmem>>) semaphore(%arg14 : memref<!tpu.dma_semaphore, #tpu.memory_space<semaphore_mem>>)
        %sub3A_127 = arith.constant 1 : i32
        %sub3A_128 = arith.subi %add3A_113, %sub3A_127 : i32
        %dma_wait3A_129 = arith.constant 0 : i32
        %dma_wait3A_130 = tpu.memref_slice %arg6[%sub3A_128, %dma_wait3A_129] : memref<40x128xi32, #tpu.memory_space<vmem>> -> memref<1x128xi32, #tpu.memory_space<vmem>>
        %dma_wait3A_131 = tpu.memref_squeeze %dma_wait3A_130 : memref<1x128xi32, #tpu.memory_space<vmem>> -> memref<128xi32, #tpu.memory_space<vmem>>
        %dma_wait3A_132 = arith.constant 0 : i32
        %dma_wait3A_133 = arith.constant 0 : i32
        %dma_wait3A_134 = tpu.memref_slice %arg4[%dma_wait3A_132, %dma_wait3A_133] : memref<10240x128xf32, #tpu.memory_space<hbm>> -> memref<10240x128xf32, #tpu.memory_space<hbm>>
        tpu.wait_indirect_dma semaphore(%arg15 : memref<!tpu.dma_semaphore, #tpu.memory_space<semaphore_mem>>) src(%dma_wait3A_134 : memref<10240x128xf32, #tpu.memory_space<hbm>>) dst(%arg9 : memref<128x128xf32, #tpu.memory_space<vmem>>)
        %sub3A_135 = arith.constant 1 : i32
        %sub3A_136 = arith.subi %add3A_113, %sub3A_135 : i32
        %dma_start3A_137 = arith.constant 0 : i32
        %dma_start3A_138 = tpu.memref_slice %arg7[%sub3A_136, %dma_start3A_137] : memref<40x128xi32, #tpu.memory_space<vmem>> -> memref<1x128xi32, #tpu.memory_space<vmem>>
        %dma_start3A_139 = tpu.memref_squeeze %dma_start3A_138 : memref<1x128xi32, #tpu.memory_space<vmem>> -> memref<128xi32, #tpu.memory_space<vmem>>
        %dma_start3A_140 = arith.constant 0 : i32
        %dma_start3A_141 = arith.constant 0 : i32
        %dma_start3A_142 = tpu.memref_slice %arg11[%dma_start3A_140, %dma_start3A_141] : memref<10240x128xf32, #tpu.memory_space<vmem_shared>> -> memref<10240x128xf32, #tpu.memory_space<vmem_shared>>
        tpu.enqueue_indirect_dma source(%arg9 : memref<128x128xf32, #tpu.memory_space<vmem>>) target(%dma_start3A_142 : memref<10240x128xf32, #tpu.memory_space<vmem_shared>>) offsets(%dma_start3A_139 : memref<128xi32, #tpu.memory_space<vmem>>) semaphore(%arg16 : memref<!tpu.dma_semaphore, #tpu.memory_space<semaphore_mem>>) {add = true}
        %mul3A_143 = arith.constant 2 : i32
        %mul3A_144 = arith.muli %mul3A_143, %add3A_109 : i32
        %add3A_145 = arith.constant 1 : i32
        %add3A_146 = arith.addi %mul3A_144, %add3A_145 : i32
        %sub3A_147 = arith.constant 2 : i32
        %sub3A_148 = arith.subi %add3A_146, %sub3A_147 : i32
        %dma_wait3A_149 = arith.constant 0 : i32
        %dma_wait3A_150 = tpu.memref_slice %arg7[%sub3A_148, %dma_wait3A_149] : memref<40x128xi32, #tpu.memory_space<vmem>> -> memref<1x128xi32, #tpu.memory_space<vmem>>
        %dma_wait3A_151 = tpu.memref_squeeze %dma_wait3A_150 : memref<1x128xi32, #tpu.memory_space<vmem>> -> memref<128xi32, #tpu.memory_space<vmem>>
        %dma_wait3A_152 = arith.constant 0 : i32
        %dma_wait3A_153 = arith.constant 0 : i32
        %dma_wait3A_154 = tpu.memref_slice %arg11[%dma_wait3A_152, %dma_wait3A_153] : memref<10240x128xf32, #tpu.memory_space<vmem_shared>> -> memref<10240x128xf32, #tpu.memory_space<vmem_shared>>
        tpu.wait_indirect_dma semaphore(%arg16 : memref<!tpu.dma_semaphore, #tpu.memory_space<semaphore_mem>>) src(%arg9 : memref<128x128xf32, #tpu.memory_space<vmem>>) dst(%dma_wait3A_154 : memref<10240x128xf32, #tpu.memory_space<vmem_shared>>)
        %dma_start3A_155 = arith.constant 0 : i32
        %dma_start3A_156 = tpu.memref_slice %arg6[%add3A_146, %dma_start3A_155] : memref<40x128xi32, #tpu.memory_space<vmem>> -> memref<1x128xi32, #tpu.memory_space<vmem>>
        %dma_start3A_157 = tpu.memref_squeeze %dma_start3A_156 : memref<1x128xi32, #tpu.memory_space<vmem>> -> memref<128xi32, #tpu.memory_space<vmem>>
        %dma_start3A_158 = arith.constant 0 : i32
        %dma_start3A_159 = arith.constant 0 : i32
        %dma_start3A_160 = tpu.memref_slice %arg4[%dma_start3A_158, %dma_start3A_159] : memref<10240x128xf32, #tpu.memory_space<hbm>> -> memref<10240x128xf32, #tpu.memory_space<hbm>>
        tpu.enqueue_indirect_dma source(%dma_start3A_160 : memref<10240x128xf32, #tpu.memory_space<hbm>>) target(%arg9 : memref<128x128xf32, #tpu.memory_space<vmem>>) offsets(%dma_start3A_157 : memref<128xi32, #tpu.memory_space<vmem>>) semaphore(%arg15 : memref<!tpu.dma_semaphore, #tpu.memory_space<semaphore_mem>>)
        %sub3A_161 = arith.constant 1 : i32
        %sub3A_162 = arith.subi %add3A_146, %sub3A_161 : i32
        %dma_wait3A_163 = arith.constant 0 : i32
        %dma_wait3A_164 = tpu.memref_slice %arg6[%sub3A_162, %dma_wait3A_163] : memref<40x128xi32, #tpu.memory_space<vmem>> -> memref<1x128xi32, #tpu.memory_space<vmem>>
        %dma_wait3A_165 = tpu.memref_squeeze %dma_wait3A_164 : memref<1x128xi32, #tpu.memory_space<vmem>> -> memref<128xi32, #tpu.memory_space<vmem>>
        %dma_wait3A_166 = arith.constant 0 : i32
        %dma_wait3A_167 = arith.constant 0 : i32
        %dma_wait3A_168 = tpu.memref_slice %arg4[%dma_wait3A_166, %dma_wait3A_167] : memref<10240x128xf32, #tpu.memory_space<hbm>> -> memref<10240x128xf32, #tpu.memory_space<hbm>>
        tpu.wait_indirect_dma semaphore(%arg14 : memref<!tpu.dma_semaphore, #tpu.memory_space<semaphore_mem>>) src(%dma_wait3A_168 : memref<10240x128xf32, #tpu.memory_space<hbm>>) dst(%arg8 : memref<128x128xf32, #tpu.memory_space<vmem>>)
        %sub3A_169 = arith.constant 1 : i32
        %sub3A_170 = arith.subi %add3A_146, %sub3A_169 : i32
        %dma_start3A_171 = arith.constant 0 : i32
        %dma_start3A_172 = tpu.memref_slice %arg7[%sub3A_170, %dma_start3A_171] : memref<40x128xi32, #tpu.memory_space<vmem>> -> memref<1x128xi32, #tpu.memory_space<vmem>>
        %dma_start3A_173 = tpu.memref_squeeze %dma_start3A_172 : memref<1x128xi32, #tpu.memory_space<vmem>> -> memref<128xi32, #tpu.memory_space<vmem>>
        %dma_start3A_174 = arith.constant 0 : i32
        %dma_start3A_175 = arith.constant 0 : i32
        %dma_start3A_176 = tpu.memref_slice %arg11[%dma_start3A_174, %dma_start3A_175] : memref<10240x128xf32, #tpu.memory_space<vmem_shared>> -> memref<10240x128xf32, #tpu.memory_space<vmem_shared>>
        tpu.enqueue_indirect_dma source(%arg8 : memref<128x128xf32, #tpu.memory_space<vmem>>) target(%dma_start3A_176 : memref<10240x128xf32, #tpu.memory_space<vmem_shared>>) offsets(%dma_start3A_173 : memref<128xi32, #tpu.memory_space<vmem>>) semaphore(%arg13 : memref<!tpu.dma_semaphore, #tpu.memory_space<semaphore_mem>>) {add = true}
      }
      %scan3A_76 = arith.constant 19 : i32
      %dma_wait3A_77 = arith.constant 38 : i32
      %dma_wait3A_78 = arith.constant 0 : i32
      %dma_wait3A_79 = tpu.memref_slice %arg7[%dma_wait3A_77, %dma_wait3A_78] : memref<40x128xi32, #tpu.memory_space<vmem>> -> memref<1x128xi32, #tpu.memory_space<vmem>>
      %dma_wait3A_80 = tpu.memref_squeeze %dma_wait3A_79 : memref<1x128xi32, #tpu.memory_space<vmem>> -> memref<128xi32, #tpu.memory_space<vmem>>
      %dma_wait3A_81 = arith.constant 0 : i32
      %dma_wait3A_82 = arith.constant 0 : i32
      %dma_wait3A_83 = tpu.memref_slice %arg11[%dma_wait3A_81, %dma_wait3A_82] : memref<10240x128xf32, #tpu.memory_space<vmem_shared>> -> memref<10240x128xf32, #tpu.memory_space<vmem_shared>>
      tpu.wait_indirect_dma semaphore(%arg13 : memref<!tpu.dma_semaphore, #tpu.memory_space<semaphore_mem>>) src(%arg8 : memref<128x128xf32, #tpu.memory_space<vmem>>) dst(%dma_wait3A_83 : memref<10240x128xf32, #tpu.memory_space<vmem_shared>>)
      %dma_wait3A_84 = arith.constant 39 : i32
      %dma_wait3A_85 = arith.constant 0 : i32
      %dma_wait3A_86 = tpu.memref_slice %arg6[%dma_wait3A_84, %dma_wait3A_85] : memref<40x128xi32, #tpu.memory_space<vmem>> -> memref<1x128xi32, #tpu.memory_space<vmem>>
      %dma_wait3A_87 = tpu.memref_squeeze %dma_wait3A_86 : memref<1x128xi32, #tpu.memory_space<vmem>> -> memref<128xi32, #tpu.memory_space<vmem>>
      %dma_wait3A_88 = arith.constant 0 : i32
      %dma_wait3A_89 = arith.constant 0 : i32
      %dma_wait3A_90 = tpu.memref_slice %arg4[%dma_wait3A_88, %dma_wait3A_89] : memref<10240x128xf32, #tpu.memory_space<hbm>> -> memref<10240x128xf32, #tpu.memory_space<hbm>>
      tpu.wait_indirect_dma semaphore(%arg15 : memref<!tpu.dma_semaphore, #tpu.memory_space<semaphore_mem>>) src(%dma_wait3A_90 : memref<10240x128xf32, #tpu.memory_space<hbm>>) dst(%arg9 : memref<128x128xf32, #tpu.memory_space<vmem>>)
      %dma_start3A_91 = arith.constant 39 : i32
      %dma_start3A_92 = arith.constant 0 : i32
      %dma_start3A_93 = tpu.memref_slice %arg7[%dma_start3A_91, %dma_start3A_92] : memref<40x128xi32, #tpu.memory_space<vmem>> -> memref<1x128xi32, #tpu.memory_space<vmem>>
      %dma_start3A_94 = tpu.memref_squeeze %dma_start3A_93 : memref<1x128xi32, #tpu.memory_space<vmem>> -> memref<128xi32, #tpu.memory_space<vmem>>
      %dma_start3A_95 = arith.constant 0 : i32
      %dma_start3A_96 = arith.constant 0 : i32
      %dma_start3A_97 = tpu.memref_slice %arg11[%dma_start3A_95, %dma_start3A_96] : memref<10240x128xf32, #tpu.memory_space<vmem_shared>> -> memref<10240x128xf32, #tpu.memory_space<vmem_shared>>
      tpu.enqueue_indirect_dma source(%arg9 : memref<128x128xf32, #tpu.memory_space<vmem>>) target(%dma_start3A_97 : memref<10240x128xf32, #tpu.memory_space<vmem_shared>>) offsets(%dma_start3A_94 : memref<128xi32, #tpu.memory_space<vmem>>) semaphore(%arg16 : memref<!tpu.dma_semaphore, #tpu.memory_space<semaphore_mem>>) {add = true}
      %dma_wait3A_98 = arith.constant 39 : i32
      %dma_wait3A_99 = arith.constant 0 : i32
      %dma_wait3A_100 = tpu.memref_slice %arg7[%dma_wait3A_98, %dma_wait3A_99] : memref<40x128xi32, #tpu.memory_space<vmem>> -> memref<1x128xi32, #tpu.memory_space<vmem>>
      %dma_wait3A_101 = tpu.memref_squeeze %dma_wait3A_100 : memref<1x128xi32, #tpu.memory_space<vmem>> -> memref<128xi32, #tpu.memory_space<vmem>>
      %dma_wait3A_102 = arith.constant 0 : i32
      %dma_wait3A_103 = arith.constant 0 : i32
      %dma_wait3A_104 = tpu.memref_slice %arg11[%dma_wait3A_102, %dma_wait3A_103] : memref<10240x128xf32, #tpu.memory_space<vmem_shared>> -> memref<10240x128xf32, #tpu.memory_space<vmem_shared>>
      tpu.wait_indirect_dma semaphore(%arg16 : memref<!tpu.dma_semaphore, #tpu.memory_space<semaphore_mem>>) src(%arg9 : memref<128x128xf32, #tpu.memory_space<vmem>>) dst(%dma_wait3A_104 : memref<10240x128xf32, #tpu.memory_space<vmem_shared>>)
    }
    %scan3A_16 = arith.constant 2 : i32
    %barrier3A_17 = arith.constant 0 : index
    tpu.barrier barrier_id(%barrier3A_17)
    %mul3A_18 = arith.constant 640 : i32
    %mul3A_19 = arith.muli %arg1, %mul3A_18 : i32
    %mul3A_20 = arith.constant 640 : i32
    %mul3A_21 = arith.muli %arg1, %mul3A_20 : i32
    "tpu.region"() ({
      %run_scoped3A = tpu.sem_alloc : memref<!tpu.dma_semaphore, #tpu.memory_space<semaphore_mem>>
      %dma_start3A = arith.constant 0 : i32
      %dma_start3A_22 = arith.constant 0 : i32
      %dma_start3A_23 = tpu.memref_slice %arg5[%arg0, %dma_start3A, %dma_start3A_22] : memref<2x10240x128xf32, #tpu.memory_space<hbm>> -> memref<1x10240x128xf32, #tpu.memory_space<hbm>>
      %dma_start3A_24 = tpu.memref_squeeze %dma_start3A_23 : memref<1x10240x128xf32, #tpu.memory_space<hbm>> -> memref<10240x128xf32, #tpu.memory_space<hbm>>
      %dma_start3A_25 = arith.constant 0 : i32
      %dma_start3A_26 = tpu.memref_slice %dma_start3A_24[%mul3A_21, %dma_start3A_25] : memref<10240x128xf32, #tpu.memory_space<hbm>> -> memref<640x128xf32, #tpu.memory_space<hbm>>
      %dma_start3A_27 = arith.constant 0 : i32
      %dma_start3A_28 = tpu.memref_slice %arg11[%mul3A_19, %dma_start3A_27] : memref<10240x128xf32, #tpu.memory_space<vmem_shared>> -> memref<640x128xf32, #tpu.memory_space<vmem_shared>>
      tpu.enqueue_dma source(%dma_start3A_28 : memref<640x128xf32, #tpu.memory_space<vmem_shared>>) target(%dma_start3A_26 : memref<640x128xf32, #tpu.memory_space<hbm>>) target_semaphore(%run_scoped3A : memref<!tpu.dma_semaphore, #tpu.memory_space<semaphore_mem>>)
      %dma_wait3A = arith.constant 0 : i32
      %dma_wait3A_29 = arith.constant 0 : i32
      %dma_wait3A_30 = tpu.memref_slice %arg5[%arg0, %dma_wait3A, %dma_wait3A_29] : memref<2x10240x128xf32, #tpu.memory_space<hbm>> -> memref<1x10240x128xf32, #tpu.memory_space<hbm>>
      %dma_wait3A_31 = tpu.memref_squeeze %dma_wait3A_30 : memref<1x10240x128xf32, #tpu.memory_space<hbm>> -> memref<10240x128xf32, #tpu.memory_space<hbm>>
      %dma_wait3A_32 = arith.constant 0 : i32
      %dma_wait3A_33 = tpu.memref_slice %dma_wait3A_31[%mul3A_21, %dma_wait3A_32] : memref<10240x128xf32, #tpu.memory_space<hbm>> -> memref<640x128xf32, #tpu.memory_space<hbm>>
      %dma_wait3A_34 = arith.constant 0 : i32
      %dma_wait3A_35 = tpu.memref_slice %arg11[%mul3A_19, %dma_wait3A_34] : memref<10240x128xf32, #tpu.memory_space<vmem_shared>> -> memref<640x128xf32, #tpu.memory_space<vmem_shared>>
      tpu.wait_dma2 semaphore(%run_scoped3A : memref<!tpu.dma_semaphore, #tpu.memory_space<semaphore_mem>>) src(%dma_wait3A_35 : memref<640x128xf32, #tpu.memory_space<vmem_shared>>) dst(%dma_wait3A_33 : memref<640x128xf32, #tpu.memory_space<hbm>>)
      tpu.yield
    }) : () -> ()
    return
  }
}

#map = affine_map<(d0, d1) -> (0, 0)>
#map1 = affine_map<(d0, d1) -> (0, 0, 0)>
module attributes {stable_mosaic.version = 14 : i64} {
  func.func @k(%arg0: i32, %arg1: i32, %arg2: memref<2560x128xi32, #tpu.memory_space<hbm>>, %arg3: memref<2560x128xi32, #tpu.memory_space<hbm>>, %arg4: memref<2x10240x128xf32, #tpu.memory_space<hbm>>, %arg5: memref<2x10240x128xf32, #tpu.memory_space<hbm>>, %arg6: memref<32x128xi32, #tpu.memory_space<vmem>>, %arg7: memref<32x128xi32, #tpu.memory_space<vmem>>, %arg8: memref<128x128xf32, #tpu.memory_space<vmem>>, %arg9: memref<128x128xf32, #tpu.memory_space<vmem>>, %arg10: memref<32x128xf32, #tpu.memory_space<vmem>>, %arg11: memref<10240x128xf32, #tpu.memory_space<vmem_shared>>, %arg12: memref<!tpu.dma_semaphore, #tpu.memory_space<semaphore_mem>>, %arg13: memref<!tpu.dma_semaphore, #tpu.memory_space<semaphore_mem>>, %arg14: memref<!tpu.dma_semaphore, #tpu.memory_space<semaphore_mem>>, %arg15: memref<!tpu.dma_semaphore, #tpu.memory_space<semaphore_mem>>, %arg16: memref<!tpu.dma_semaphore, #tpu.memory_space<semaphore_mem>>) attributes {dimension_semantics = [#tpu.dimension_semantics<core_parallel>, #tpu.dimension_semantics<subcore_parallel>], iteration_bounds = array<i64: 2, 16>, scalar_prefetch = 0 : i64, scratch_operands = 11 : i64, tpu.core_type = #tpu.core_type<sc_vector_subcore>, window_params = [{transform_indices = #map}, {transform_indices = #map}, {transform_indices = #map1}, {transform_indices = #map1}]} {
    %mul3A = arith.constant 160 : i32
    %mul3A_0 = arith.muli %arg1, %mul3A : i32
    %scan3A = arith.constant 0 : i32
    %scan3A_1 = arith.constant 32 : i32
    %scan3A_2 = arith.addi %scan3A, %scan3A_1 : i32
    %scan3A_3 = arith.constant 1 : i32
    scf.for %scan3A_20 = %scan3A to %scan3A_2 step %scan3A_3  : i32 {
      %mul3A_21 = arith.constant 1 : i32
      %mul3A_22 = arith.muli %scan3A_20, %mul3A_21 : i32
      %add3A = arith.constant 0 : i32
      %add3A_23 = arith.addi %add3A, %mul3A_22 : i32
      %scan3A_24 = arith.constant 0 : i32
      %scan3A_25 = arith.constant 8 : i32
      %scan3A_26 = arith.addi %scan3A_24, %scan3A_25 : i32
      %scan3A_27 = arith.constant 1 : i32
      scf.for %scan3A_29 = %scan3A_24 to %scan3A_26 step %scan3A_27  : i32 {
        %mul3A_30 = arith.constant 1 : i32
        %mul3A_31 = arith.muli %scan3A_29, %mul3A_30 : i32
        %add3A_32 = arith.constant 0 : i32
        %add3A_33 = arith.addi %add3A_32, %mul3A_31 : i32
        %broadcast_in_dim3A = arith.constant 0.000000e+00 : f32
        %broadcast_in_dim3A_34 = vector.broadcast %broadcast_in_dim3A : f32 to vector<16xf32>
        %mul3A_35 = arith.constant 16 : i32
        %mul3A_36 = arith.muli %add3A_33, %mul3A_35 : i32
        %swap3A = arith.index_cast %add3A_23 : i32 to index
        %swap3A_37 = arith.index_cast %mul3A_36 : i32 to index
        %swap3A_38 = tpu.vector_load %arg10[%swap3A, %swap3A_37] {strides = array<i32>} : memref<32x128xf32, #tpu.memory_space<vmem>>, vector<1x16xf32>,
        %swap3A_39 = vector.shape_cast %swap3A_38 : vector<1x16xf32> to vector<16xf32>
        %swap3A_40 = vector.shape_cast %broadcast_in_dim3A_34 : vector<16xf32> to vector<1x16xf32>
        tpu.vector_store %arg10[%swap3A, %swap3A_37], %swap3A_40 {strides = array<i32>} : memref<32x128xf32, #tpu.memory_space<vmem>>, vector<1x16xf32>,
      }
      %scan3A_28 = arith.constant 8 : i32
    }
    %scan3A_4 = arith.constant 32 : i32
    %scan3A_5 = arith.constant 0 : i32
    %scan3A_6 = arith.constant 20 : i32
    %scan3A_7 = arith.addi %scan3A_5, %scan3A_6 : i32
    %scan3A_8 = arith.constant 1 : i32
    scf.for %scan3A_20 = %scan3A_5 to %scan3A_7 step %scan3A_8  : i32 {
      %mul3A_21 = arith.constant 1 : i32
      %mul3A_22 = arith.muli %scan3A_20, %mul3A_21 : i32
      %add3A = arith.constant 0 : i32
      %add3A_23 = arith.addi %add3A, %mul3A_22 : i32
      %mul3A_24 = arith.constant 640 : i32
      %mul3A_25 = arith.muli %arg1, %mul3A_24 : i32
      %mul3A_26 = arith.constant 32 : i32
      %mul3A_27 = arith.muli %add3A_23, %mul3A_26 : i32
      %add3A_28 = arith.addi %mul3A_25, %mul3A_27 : i32
      "tpu.region"() ({
        %run_scoped3A = tpu.sem_alloc : memref<!tpu.dma_semaphore, #tpu.memory_space<semaphore_mem>>
        %dma_start3A = arith.constant 0 : i32
        %dma_start3A_29 = tpu.memref_slice %arg11[%add3A_28, %dma_start3A] : memref<10240x128xf32, #tpu.memory_space<vmem_shared>> -> memref<32x128xf32, #tpu.memory_space<vmem_shared>>
        %dma_start3A_30 = arith.constant 0 : i32
        %dma_start3A_31 = tpu.memref_slice %arg11[%add3A_28, %dma_start3A_30] : memref<10240x128xf32, #tpu.memory_space<vmem_shared>> -> memref<32x128xf32, #tpu.memory_space<vmem_shared>>
        tpu.enqueue_dma source(%arg10 : memref<32x128xf32, #tpu.memory_space<vmem>>) target(%dma_start3A_31 : memref<32x128xf32, #tpu.memory_space<vmem_shared>>) target_semaphore(%run_scoped3A : memref<!tpu.dma_semaphore, #tpu.memory_space<semaphore_mem>>)
        %dma_wait3A = arith.constant 0 : i32
        %dma_wait3A_32 = tpu.memref_slice %arg11[%add3A_28, %dma_wait3A] : memref<10240x128xf32, #tpu.memory_space<vmem_shared>> -> memref<32x128xf32, #tpu.memory_space<vmem_shared>>
        %dma_wait3A_33 = arith.constant 0 : i32
        %dma_wait3A_34 = tpu.memref_slice %arg11[%add3A_28, %dma_wait3A_33] : memref<10240x128xf32, #tpu.memory_space<vmem_shared>> -> memref<32x128xf32, #tpu.memory_space<vmem_shared>>
        tpu.wait_dma2 semaphore(%run_scoped3A : memref<!tpu.dma_semaphore, #tpu.memory_space<semaphore_mem>>) src(%arg10 : memref<32x128xf32, #tpu.memory_space<vmem>>) dst(%dma_wait3A_34 : memref<32x128xf32, #tpu.memory_space<vmem_shared>>)
        tpu.yield
      }) : () -> ()
    }
    %scan3A_9 = arith.constant 20 : i32
    %barrier3A = arith.constant 0 : index
    tpu.barrier barrier_id(%barrier3A)
    %scan3A_10 = arith.constant 0 : i32
    %scan3A_11 = arith.constant 5 : i32
    %scan3A_12 = arith.addi %scan3A_10, %scan3A_11 : i32
    %scan3A_13 = arith.constant 1 : i32
    scf.for %scan3A_20 = %scan3A_10 to %scan3A_12 step %scan3A_13  : i32 {
      %mul3A_21 = arith.constant 1 : i32
      %mul3A_22 = arith.muli %scan3A_20, %mul3A_21 : i32
      %add3A = arith.constant 0 : i32
      %add3A_23 = arith.addi %add3A, %mul3A_22 : i32
      %mul3A_24 = arith.constant 32 : i32
      %mul3A_25 = arith.muli %add3A_23, %mul3A_24 : i32
      %add3A_26 = arith.addi %mul3A_0, %mul3A_25 : i32
      %dma_start3A = arith.constant 0 : i32
      %dma_start3A_27 = tpu.memref_slice %arg2[%add3A_26, %dma_start3A] : memref<2560x128xi32, #tpu.memory_space<hbm>> -> memref<32x128xi32, #tpu.memory_space<hbm>>
      %dma_start3A_28 = arith.constant 0 : i32
      %dma_start3A_29 = tpu.memref_slice %arg2[%add3A_26, %dma_start3A_28] : memref<2560x128xi32, #tpu.memory_space<hbm>> -> memref<32x128xi32, #tpu.memory_space<hbm>>
      tpu.enqueue_dma source(%dma_start3A_29 : memref<32x128xi32, #tpu.memory_space<hbm>>) target(%arg6 : memref<32x128xi32, #tpu.memory_space<vmem>>) target_semaphore(%arg12 : memref<!tpu.dma_semaphore, #tpu.memory_space<semaphore_mem>>)
      %dma_start3A_30 = arith.constant 0 : i32
      %dma_start3A_31 = tpu.memref_slice %arg3[%add3A_26, %dma_start3A_30] : memref<2560x128xi32, #tpu.memory_space<hbm>> -> memref<32x128xi32, #tpu.memory_space<hbm>>
      %dma_start3A_32 = arith.constant 0 : i32
      %dma_start3A_33 = tpu.memref_slice %arg3[%add3A_26, %dma_start3A_32] : memref<2560x128xi32, #tpu.memory_space<hbm>> -> memref<32x128xi32, #tpu.memory_space<hbm>>
      tpu.enqueue_dma source(%dma_start3A_33 : memref<32x128xi32, #tpu.memory_space<hbm>>) target(%arg7 : memref<32x128xi32, #tpu.memory_space<vmem>>) target_semaphore(%arg14 : memref<!tpu.dma_semaphore, #tpu.memory_space<semaphore_mem>>)
      %dma_wait3A = arith.constant 0 : i32
      %dma_wait3A_34 = tpu.memref_slice %arg2[%add3A_26, %dma_wait3A] : memref<2560x128xi32, #tpu.memory_space<hbm>> -> memref<32x128xi32, #tpu.memory_space<hbm>>
      %dma_wait3A_35 = arith.constant 0 : i32
      %dma_wait3A_36 = tpu.memref_slice %arg2[%add3A_26, %dma_wait3A_35] : memref<2560x128xi32, #tpu.memory_space<hbm>> -> memref<32x128xi32, #tpu.memory_space<hbm>>
      tpu.wait_dma2 semaphore(%arg12 : memref<!tpu.dma_semaphore, #tpu.memory_space<semaphore_mem>>) src(%dma_wait3A_36 : memref<32x128xi32, #tpu.memory_space<hbm>>) dst(%arg6 : memref<32x128xi32, #tpu.memory_space<vmem>>)
      %dma_wait3A_37 = arith.constant 0 : i32
      %dma_wait3A_38 = tpu.memref_slice %arg3[%add3A_26, %dma_wait3A_37] : memref<2560x128xi32, #tpu.memory_space<hbm>> -> memref<32x128xi32, #tpu.memory_space<hbm>>
      %dma_wait3A_39 = arith.constant 0 : i32
      %dma_wait3A_40 = tpu.memref_slice %arg3[%add3A_26, %dma_wait3A_39] : memref<2560x128xi32, #tpu.memory_space<hbm>> -> memref<32x128xi32, #tpu.memory_space<hbm>>
      tpu.wait_dma2 semaphore(%arg14 : memref<!tpu.dma_semaphore, #tpu.memory_space<semaphore_mem>>) src(%dma_wait3A_40 : memref<32x128xi32, #tpu.memory_space<hbm>>) dst(%arg7 : memref<32x128xi32, #tpu.memory_space<vmem>>)
      %dma_start3A_41 = arith.constant 0 : i32
      %dma_start3A_42 = arith.constant 0 : i32
      %dma_start3A_43 = tpu.memref_slice %arg6[%dma_start3A_41, %dma_start3A_42] : memref<32x128xi32, #tpu.memory_space<vmem>> -> memref<1x128xi32, #tpu.memory_space<vmem>>
      %dma_start3A_44 = tpu.memref_squeeze %dma_start3A_43 : memref<1x128xi32, #tpu.memory_space<vmem>> -> memref<128xi32, #tpu.memory_space<vmem>>
      %dma_start3A_45 = arith.constant 0 : i32
      %dma_start3A_46 = arith.constant 0 : i32
      %dma_start3A_47 = tpu.memref_slice %arg4[%arg0, %dma_start3A_45, %dma_start3A_46] : memref<2x10240x128xf32, #tpu.memory_space<hbm>> -> memref<1x10240x128xf32, #tpu.memory_space<hbm>>
      %dma_start3A_48 = tpu.memref_squeeze %dma_start3A_47 : memref<1x10240x128xf32, #tpu.memory_space<hbm>> -> memref<10240x128xf32, #tpu.memory_space<hbm>>
      %dma_start3A_49 = arith.constant 0 : i32
      %dma_start3A_50 = arith.constant 0 : i32
      %dma_start3A_51 = tpu.memref_slice %dma_start3A_48[%dma_start3A_49, %dma_start3A_50] : memref<10240x128xf32, #tpu.memory_space<hbm>> -> memref<10240x128xf32, #tpu.memory_space<hbm>>
      tpu.enqueue_indirect_dma source(%dma_start3A_51 : memref<10240x128xf32, #tpu.memory_space<hbm>>) target(%arg8 : memref<128x128xf32, #tpu.memory_space<vmem>>) offsets(%dma_start3A_44 : memref<128xi32, #tpu.memory_space<vmem>>) semaphore(%arg14 : memref<!tpu.dma_semaphore, #tpu.memory_space<semaphore_mem>>)
      %dma_start3A_52 = arith.constant 1 : i32
      %dma_start3A_53 = arith.constant 0 : i32
      %dma_start3A_54 = tpu.memref_slice %arg6[%dma_start3A_52, %dma_start3A_53] : memref<32x128xi32, #tpu.memory_space<vmem>> -> memref<1x128xi32, #tpu.memory_space<vmem>>
      %dma_start3A_55 = tpu.memref_squeeze %dma_start3A_54 : memref<1x128xi32, #tpu.memory_space<vmem>> -> memref<128xi32, #tpu.memory_space<vmem>>
      %dma_start3A_56 = arith.constant 0 : i32
      %dma_start3A_57 = arith.constant 0 : i32
      %dma_start3A_58 = tpu.memref_slice %arg4[%arg0, %dma_start3A_56, %dma_start3A_57] : memref<2x10240x128xf32, #tpu.memory_space<hbm>> -> memref<1x10240x128xf32, #tpu.memory_space<hbm>>
      %dma_start3A_59 = tpu.memref_squeeze %dma_start3A_58 : memref<1x10240x128xf32, #tpu.memory_space<hbm>> -> memref<10240x128xf32, #tpu.memory_space<hbm>>
      %dma_start3A_60 = arith.constant 0 : i32
      %dma_start3A_61 = arith.constant 0 : i32
      %dma_start3A_62 = tpu.memref_slice %dma_start3A_59[%dma_start3A_60, %dma_start3A_61] : memref<10240x128xf32, #tpu.memory_space<hbm>> -> memref<10240x128xf32, #tpu.memory_space<hbm>>
      tpu.enqueue_indirect_dma source(%dma_start3A_62 : memref<10240x128xf32, #tpu.memory_space<hbm>>) target(%arg9 : memref<128x128xf32, #tpu.memory_space<vmem>>) offsets(%dma_start3A_55 : memref<128xi32, #tpu.memory_space<vmem>>) semaphore(%arg15 : memref<!tpu.dma_semaphore, #tpu.memory_space<semaphore_mem>>)
      %dma_wait3A_63 = arith.constant 0 : i32
      %dma_wait3A_64 = arith.constant 0 : i32
      %dma_wait3A_65 = tpu.memref_slice %arg6[%dma_wait3A_63, %dma_wait3A_64] : memref<32x128xi32, #tpu.memory_space<vmem>> -> memref<1x128xi32, #tpu.memory_space<vmem>>
      %dma_wait3A_66 = tpu.memref_squeeze %dma_wait3A_65 : memref<1x128xi32, #tpu.memory_space<vmem>> -> memref<128xi32, #tpu.memory_space<vmem>>
      %dma_wait3A_67 = arith.constant 0 : i32
      %dma_wait3A_68 = arith.constant 0 : i32
      %dma_wait3A_69 = tpu.memref_slice %arg4[%arg0, %dma_wait3A_67, %dma_wait3A_68] : memref<2x10240x128xf32, #tpu.memory_space<hbm>> -> memref<1x10240x128xf32, #tpu.memory_space<hbm>>
      %dma_wait3A_70 = tpu.memref_squeeze %dma_wait3A_69 : memref<1x10240x128xf32, #tpu.memory_space<hbm>> -> memref<10240x128xf32, #tpu.memory_space<hbm>>
      %dma_wait3A_71 = arith.constant 0 : i32
      %dma_wait3A_72 = arith.constant 0 : i32
      %dma_wait3A_73 = tpu.memref_slice %dma_wait3A_70[%dma_wait3A_71, %dma_wait3A_72] : memref<10240x128xf32, #tpu.memory_space<hbm>> -> memref<10240x128xf32, #tpu.memory_space<hbm>>
      tpu.wait_indirect_dma semaphore(%arg14 : memref<!tpu.dma_semaphore, #tpu.memory_space<semaphore_mem>>) src(%dma_wait3A_73 : memref<10240x128xf32, #tpu.memory_space<hbm>>) dst(%arg8 : memref<128x128xf32, #tpu.memory_space<vmem>>)
      %dma_start3A_74 = arith.constant 0 : i32
      %dma_start3A_75 = arith.constant 0 : i32
      %dma_start3A_76 = tpu.memref_slice %arg7[%dma_start3A_74, %dma_start3A_75] : memref<32x128xi32, #tpu.memory_space<vmem>> -> memref<1x128xi32, #tpu.memory_space<vmem>>
      %dma_start3A_77 = tpu.memref_squeeze %dma_start3A_76 : memref<1x128xi32, #tpu.memory_space<vmem>> -> memref<128xi32, #tpu.memory_space<vmem>>
      %dma_start3A_78 = arith.constant 0 : i32
      %dma_start3A_79 = arith.constant 0 : i32
      %dma_start3A_80 = tpu.memref_slice %arg11[%dma_start3A_78, %dma_start3A_79] : memref<10240x128xf32, #tpu.memory_space<vmem_shared>> -> memref<10240x128xf32, #tpu.memory_space<vmem_shared>>
      tpu.enqueue_indirect_dma source(%arg8 : memref<128x128xf32, #tpu.memory_space<vmem>>) target(%dma_start3A_80 : memref<10240x128xf32, #tpu.memory_space<vmem_shared>>) offsets(%dma_start3A_77 : memref<128xi32, #tpu.memory_space<vmem>>) semaphore(%arg13 : memref<!tpu.dma_semaphore, #tpu.memory_space<semaphore_mem>>) {add = true}
      %scan3A_81 = arith.constant 0 : i32
      %scan3A_82 = arith.constant 15 : i32
      %scan3A_83 = arith.addi %scan3A_81, %scan3A_82 : i32
      %scan3A_84 = arith.constant 1 : i32
      scf.for %scan3A_118 = %scan3A_81 to %scan3A_83 step %scan3A_84  : i32 {
        %mul3A_119 = arith.constant 1 : i32
        %mul3A_120 = arith.muli %scan3A_118, %mul3A_119 : i32
        %add3A_121 = arith.constant 1 : i32
        %add3A_122 = arith.addi %add3A_121, %mul3A_120 : i32
        %mul3A_123 = arith.constant 2 : i32
        %mul3A_124 = arith.muli %mul3A_123, %add3A_122 : i32
        %add3A_125 = arith.constant 0 : i32
        %add3A_126 = arith.addi %mul3A_124, %add3A_125 : i32
        %sub3A = arith.constant 2 : i32
        %sub3A_127 = arith.subi %add3A_126, %sub3A : i32
        %dma_wait3A_128 = arith.constant 0 : i32
        %dma_wait3A_129 = tpu.memref_slice %arg7[%sub3A_127, %dma_wait3A_128] : memref<32x128xi32, #tpu.memory_space<vmem>> -> memref<1x128xi32, #tpu.memory_space<vmem>>
        %dma_wait3A_130 = tpu.memref_squeeze %dma_wait3A_129 : memref<1x128xi32, #tpu.memory_space<vmem>> -> memref<128xi32, #tpu.memory_space<vmem>>
        %dma_wait3A_131 = arith.constant 0 : i32
        %dma_wait3A_132 = arith.constant 0 : i32
        %dma_wait3A_133 = tpu.memref_slice %arg11[%dma_wait3A_131, %dma_wait3A_132] : memref<10240x128xf32, #tpu.memory_space<vmem_shared>> -> memref<10240x128xf32, #tpu.memory_space<vmem_shared>>
        tpu.wait_indirect_dma semaphore(%arg13 : memref<!tpu.dma_semaphore, #tpu.memory_space<semaphore_mem>>) src(%arg8 : memref<128x128xf32, #tpu.memory_space<vmem>>) dst(%dma_wait3A_133 : memref<10240x128xf32, #tpu.memory_space<vmem_shared>>)
        %dma_start3A_134 = arith.constant 0 : i32
        %dma_start3A_135 = tpu.memref_slice %arg6[%add3A_126, %dma_start3A_134] : memref<32x128xi32, #tpu.memory_space<vmem>> -> memref<1x128xi32, #tpu.memory_space<vmem>>
        %dma_start3A_136 = tpu.memref_squeeze %dma_start3A_135 : memref<1x128xi32, #tpu.memory_space<vmem>> -> memref<128xi32, #tpu.memory_space<vmem>>
        %dma_start3A_137 = arith.constant 0 : i32
        %dma_start3A_138 = arith.constant 0 : i32
        %dma_start3A_139 = tpu.memref_slice %arg4[%arg0, %dma_start3A_137, %dma_start3A_138] : memref<2x10240x128xf32, #tpu.memory_space<hbm>> -> memref<1x10240x128xf32, #tpu.memory_space<hbm>>
        %dma_start3A_140 = tpu.memref_squeeze %dma_start3A_139 : memref<1x10240x128xf32, #tpu.memory_space<hbm>> -> memref<10240x128xf32, #tpu.memory_space<hbm>>
        %dma_start3A_141 = arith.constant 0 : i32
        %dma_start3A_142 = arith.constant 0 : i32
        %dma_start3A_143 = tpu.memref_slice %dma_start3A_140[%dma_start3A_141, %dma_start3A_142] : memref<10240x128xf32, #tpu.memory_space<hbm>> -> memref<10240x128xf32, #tpu.memory_space<hbm>>
        tpu.enqueue_indirect_dma source(%dma_start3A_143 : memref<10240x128xf32, #tpu.memory_space<hbm>>) target(%arg8 : memref<128x128xf32, #tpu.memory_space<vmem>>) offsets(%dma_start3A_136 : memref<128xi32, #tpu.memory_space<vmem>>) semaphore(%arg14 : memref<!tpu.dma_semaphore, #tpu.memory_space<semaphore_mem>>)
        %sub3A_144 = arith.constant 1 : i32
        %sub3A_145 = arith.subi %add3A_126, %sub3A_144 : i32
        %dma_wait3A_146 = arith.constant 0 : i32
        %dma_wait3A_147 = tpu.memref_slice %arg6[%sub3A_145, %dma_wait3A_146] : memref<32x128xi32, #tpu.memory_space<vmem>> -> memref<1x128xi32, #tpu.memory_space<vmem>>
        %dma_wait3A_148 = tpu.memref_squeeze %dma_wait3A_147 : memref<1x128xi32, #tpu.memory_space<vmem>> -> memref<128xi32, #tpu.memory_space<vmem>>
        %dma_wait3A_149 = arith.constant 0 : i32
        %dma_wait3A_150 = arith.constant 0 : i32
        %dma_wait3A_151 = tpu.memref_slice %arg4[%arg0, %dma_wait3A_149, %dma_wait3A_150] : memref<2x10240x128xf32, #tpu.memory_space<hbm>> -> memref<1x10240x128xf32, #tpu.memory_space<hbm>>
        %dma_wait3A_152 = tpu.memref_squeeze %dma_wait3A_151 : memref<1x10240x128xf32, #tpu.memory_space<hbm>> -> memref<10240x128xf32, #tpu.memory_space<hbm>>
        %dma_wait3A_153 = arith.constant 0 : i32
        %dma_wait3A_154 = arith.constant 0 : i32
        %dma_wait3A_155 = tpu.memref_slice %dma_wait3A_152[%dma_wait3A_153, %dma_wait3A_154] : memref<10240x128xf32, #tpu.memory_space<hbm>> -> memref<10240x128xf32, #tpu.memory_space<hbm>>
        tpu.wait_indirect_dma semaphore(%arg15 : memref<!tpu.dma_semaphore, #tpu.memory_space<semaphore_mem>>) src(%dma_wait3A_155 : memref<10240x128xf32, #tpu.memory_space<hbm>>) dst(%arg9 : memref<128x128xf32, #tpu.memory_space<vmem>>)
        %sub3A_156 = arith.constant 1 : i32
        %sub3A_157 = arith.subi %add3A_126, %sub3A_156 : i32
        %dma_start3A_158 = arith.constant 0 : i32
        %dma_start3A_159 = tpu.memref_slice %arg7[%sub3A_157, %dma_start3A_158] : memref<32x128xi32, #tpu.memory_space<vmem>> -> memref<1x128xi32, #tpu.memory_space<vmem>>
        %dma_start3A_160 = tpu.memref_squeeze %dma_start3A_159 : memref<1x128xi32, #tpu.memory_space<vmem>> -> memref<128xi32, #tpu.memory_space<vmem>>
        %dma_start3A_161 = arith.constant 0 : i32
        %dma_start3A_162 = arith.constant 0 : i32
        %dma_start3A_163 = tpu.memref_slice %arg11[%dma_start3A_161, %dma_start3A_162] : memref<10240x128xf32, #tpu.memory_space<vmem_shared>> -> memref<10240x128xf32, #tpu.memory_space<vmem_shared>>
        tpu.enqueue_indirect_dma source(%arg9 : memref<128x128xf32, #tpu.memory_space<vmem>>) target(%dma_start3A_163 : memref<10240x128xf32, #tpu.memory_space<vmem_shared>>) offsets(%dma_start3A_160 : memref<128xi32, #tpu.memory_space<vmem>>) semaphore(%arg16 : memref<!tpu.dma_semaphore, #tpu.memory_space<semaphore_mem>>) {add = true}
        %mul3A_164 = arith.constant 2 : i32
        %mul3A_165 = arith.muli %mul3A_164, %add3A_122 : i32
        %add3A_166 = arith.constant 1 : i32
        %add3A_167 = arith.addi %mul3A_165, %add3A_166 : i32
        %sub3A_168 = arith.constant 2 : i32
        %sub3A_169 = arith.subi %add3A_167, %sub3A_168 : i32
        %dma_wait3A_170 = arith.constant 0 : i32
        %dma_wait3A_171 = tpu.memref_slice %arg7[%sub3A_169, %dma_wait3A_170] : memref<32x128xi32, #tpu.memory_space<vmem>> -> memref<1x128xi32, #tpu.memory_space<vmem>>
        %dma_wait3A_172 = tpu.memref_squeeze %dma_wait3A_171 : memref<1x128xi32, #tpu.memory_space<vmem>> -> memref<128xi32, #tpu.memory_space<vmem>>
        %dma_wait3A_173 = arith.constant 0 : i32
        %dma_wait3A_174 = arith.constant 0 : i32
        %dma_wait3A_175 = tpu.memref_slice %arg11[%dma_wait3A_173, %dma_wait3A_174] : memref<10240x128xf32, #tpu.memory_space<vmem_shared>> -> memref<10240x128xf32, #tpu.memory_space<vmem_shared>>
        tpu.wait_indirect_dma semaphore(%arg16 : memref<!tpu.dma_semaphore, #tpu.memory_space<semaphore_mem>>) src(%arg9 : memref<128x128xf32, #tpu.memory_space<vmem>>) dst(%dma_wait3A_175 : memref<10240x128xf32, #tpu.memory_space<vmem_shared>>)
        %dma_start3A_176 = arith.constant 0 : i32
        %dma_start3A_177 = tpu.memref_slice %arg6[%add3A_167, %dma_start3A_176] : memref<32x128xi32, #tpu.memory_space<vmem>> -> memref<1x128xi32, #tpu.memory_space<vmem>>
        %dma_start3A_178 = tpu.memref_squeeze %dma_start3A_177 : memref<1x128xi32, #tpu.memory_space<vmem>> -> memref<128xi32, #tpu.memory_space<vmem>>
        %dma_start3A_179 = arith.constant 0 : i32
        %dma_start3A_180 = arith.constant 0 : i32
        %dma_start3A_181 = tpu.memref_slice %arg4[%arg0, %dma_start3A_179, %dma_start3A_180] : memref<2x10240x128xf32, #tpu.memory_space<hbm>> -> memref<1x10240x128xf32, #tpu.memory_space<hbm>>
        %dma_start3A_182 = tpu.memref_squeeze %dma_start3A_181 : memref<1x10240x128xf32, #tpu.memory_space<hbm>> -> memref<10240x128xf32, #tpu.memory_space<hbm>>
        %dma_start3A_183 = arith.constant 0 : i32
        %dma_start3A_184 = arith.constant 0 : i32
        %dma_start3A_185 = tpu.memref_slice %dma_start3A_182[%dma_start3A_183, %dma_start3A_184] : memref<10240x128xf32, #tpu.memory_space<hbm>> -> memref<10240x128xf32, #tpu.memory_space<hbm>>
        tpu.enqueue_indirect_dma source(%dma_start3A_185 : memref<10240x128xf32, #tpu.memory_space<hbm>>) target(%arg9 : memref<128x128xf32, #tpu.memory_space<vmem>>) offsets(%dma_start3A_178 : memref<128xi32, #tpu.memory_space<vmem>>) semaphore(%arg15 : memref<!tpu.dma_semaphore, #tpu.memory_space<semaphore_mem>>)
        %sub3A_186 = arith.constant 1 : i32
        %sub3A_187 = arith.subi %add3A_167, %sub3A_186 : i32
        %dma_wait3A_188 = arith.constant 0 : i32
        %dma_wait3A_189 = tpu.memref_slice %arg6[%sub3A_187, %dma_wait3A_188] : memref<32x128xi32, #tpu.memory_space<vmem>> -> memref<1x128xi32, #tpu.memory_space<vmem>>
        %dma_wait3A_190 = tpu.memref_squeeze %dma_wait3A_189 : memref<1x128xi32, #tpu.memory_space<vmem>> -> memref<128xi32, #tpu.memory_space<vmem>>
        %dma_wait3A_191 = arith.constant 0 : i32
        %dma_wait3A_192 = arith.constant 0 : i32
        %dma_wait3A_193 = tpu.memref_slice %arg4[%arg0, %dma_wait3A_191, %dma_wait3A_192] : memref<2x10240x128xf32, #tpu.memory_space<hbm>> -> memref<1x10240x128xf32, #tpu.memory_space<hbm>>
        %dma_wait3A_194 = tpu.memref_squeeze %dma_wait3A_193 : memref<1x10240x128xf32, #tpu.memory_space<hbm>> -> memref<10240x128xf32, #tpu.memory_space<hbm>>
        %dma_wait3A_195 = arith.constant 0 : i32
        %dma_wait3A_196 = arith.constant 0 : i32
        %dma_wait3A_197 = tpu.memref_slice %dma_wait3A_194[%dma_wait3A_195, %dma_wait3A_196] : memref<10240x128xf32, #tpu.memory_space<hbm>> -> memref<10240x128xf32, #tpu.memory_space<hbm>>
        tpu.wait_indirect_dma semaphore(%arg14 : memref<!tpu.dma_semaphore, #tpu.memory_space<semaphore_mem>>) src(%dma_wait3A_197 : memref<10240x128xf32, #tpu.memory_space<hbm>>) dst(%arg8 : memref<128x128xf32, #tpu.memory_space<vmem>>)
        %sub3A_198 = arith.constant 1 : i32
        %sub3A_199 = arith.subi %add3A_167, %sub3A_198 : i32
        %dma_start3A_200 = arith.constant 0 : i32
        %dma_start3A_201 = tpu.memref_slice %arg7[%sub3A_199, %dma_start3A_200] : memref<32x128xi32, #tpu.memory_space<vmem>> -> memref<1x128xi32, #tpu.memory_space<vmem>>
        %dma_start3A_202 = tpu.memref_squeeze %dma_start3A_201 : memref<1x128xi32, #tpu.memory_space<vmem>> -> memref<128xi32, #tpu.memory_space<vmem>>
        %dma_start3A_203 = arith.constant 0 : i32
        %dma_start3A_204 = arith.constant 0 : i32
        %dma_start3A_205 = tpu.memref_slice %arg11[%dma_start3A_203, %dma_start3A_204] : memref<10240x128xf32, #tpu.memory_space<vmem_shared>> -> memref<10240x128xf32, #tpu.memory_space<vmem_shared>>
        tpu.enqueue_indirect_dma source(%arg8 : memref<128x128xf32, #tpu.memory_space<vmem>>) target(%dma_start3A_205 : memref<10240x128xf32, #tpu.memory_space<vmem_shared>>) offsets(%dma_start3A_202 : memref<128xi32, #tpu.memory_space<vmem>>) semaphore(%arg13 : memref<!tpu.dma_semaphore, #tpu.memory_space<semaphore_mem>>) {add = true}
      }
      %scan3A_85 = arith.constant 15 : i32
      %dma_wait3A_86 = arith.constant 30 : i32
      %dma_wait3A_87 = arith.constant 0 : i32
      %dma_wait3A_88 = tpu.memref_slice %arg7[%dma_wait3A_86, %dma_wait3A_87] : memref<32x128xi32, #tpu.memory_space<vmem>> -> memref<1x128xi32, #tpu.memory_space<vmem>>
      %dma_wait3A_89 = tpu.memref_squeeze %dma_wait3A_88 : memref<1x128xi32, #tpu.memory_space<vmem>> -> memref<128xi32, #tpu.memory_space<vmem>>
      %dma_wait3A_90 = arith.constant 0 : i32
      %dma_wait3A_91 = arith.constant 0 : i32
      %dma_wait3A_92 = tpu.memref_slice %arg11[%dma_wait3A_90, %dma_wait3A_91] : memref<10240x128xf32, #tpu.memory_space<vmem_shared>> -> memref<10240x128xf32, #tpu.memory_space<vmem_shared>>
      tpu.wait_indirect_dma semaphore(%arg13 : memref<!tpu.dma_semaphore, #tpu.memory_space<semaphore_mem>>) src(%arg8 : memref<128x128xf32, #tpu.memory_space<vmem>>) dst(%dma_wait3A_92 : memref<10240x128xf32, #tpu.memory_space<vmem_shared>>)
      %dma_wait3A_93 = arith.constant 31 : i32
      %dma_wait3A_94 = arith.constant 0 : i32
      %dma_wait3A_95 = tpu.memref_slice %arg6[%dma_wait3A_93, %dma_wait3A_94] : memref<32x128xi32, #tpu.memory_space<vmem>> -> memref<1x128xi32, #tpu.memory_space<vmem>>
      %dma_wait3A_96 = tpu.memref_squeeze %dma_wait3A_95 : memref<1x128xi32, #tpu.memory_space<vmem>> -> memref<128xi32, #tpu.memory_space<vmem>>
      %dma_wait3A_97 = arith.constant 0 : i32
      %dma_wait3A_98 = arith.constant 0 : i32
      %dma_wait3A_99 = tpu.memref_slice %arg4[%arg0, %dma_wait3A_97, %dma_wait3A_98] : memref<2x10240x128xf32, #tpu.memory_space<hbm>> -> memref<1x10240x128xf32, #tpu.memory_space<hbm>>
      %dma_wait3A_100 = tpu.memref_squeeze %dma_wait3A_99 : memref<1x10240x128xf32, #tpu.memory_space<hbm>> -> memref<10240x128xf32, #tpu.memory_space<hbm>>
      %dma_wait3A_101 = arith.constant 0 : i32
      %dma_wait3A_102 = arith.constant 0 : i32
      %dma_wait3A_103 = tpu.memref_slice %dma_wait3A_100[%dma_wait3A_101, %dma_wait3A_102] : memref<10240x128xf32, #tpu.memory_space<hbm>> -> memref<10240x128xf32, #tpu.memory_space<hbm>>
      tpu.wait_indirect_dma semaphore(%arg15 : memref<!tpu.dma_semaphore, #tpu.memory_space<semaphore_mem>>) src(%dma_wait3A_103 : memref<10240x128xf32, #tpu.memory_space<hbm>>) dst(%arg9 : memref<128x128xf32, #tpu.memory_space<vmem>>)
      %dma_start3A_104 = arith.constant 31 : i32
      %dma_start3A_105 = arith.constant 0 : i32
      %dma_start3A_106 = tpu.memref_slice %arg7[%dma_start3A_104, %dma_start3A_105] : memref<32x128xi32, #tpu.memory_space<vmem>> -> memref<1x128xi32, #tpu.memory_space<vmem>>
      %dma_start3A_107 = tpu.memref_squeeze %dma_start3A_106 : memref<1x128xi32, #tpu.memory_space<vmem>> -> memref<128xi32, #tpu.memory_space<vmem>>
      %dma_start3A_108 = arith.constant 0 : i32
      %dma_start3A_109 = arith.constant 0 : i32
      %dma_start3A_110 = tpu.memref_slice %arg11[%dma_start3A_108, %dma_start3A_109] : memref<10240x128xf32, #tpu.memory_space<vmem_shared>> -> memref<10240x128xf32, #tpu.memory_space<vmem_shared>>
      tpu.enqueue_indirect_dma source(%arg9 : memref<128x128xf32, #tpu.memory_space<vmem>>) target(%dma_start3A_110 : memref<10240x128xf32, #tpu.memory_space<vmem_shared>>) offsets(%dma_start3A_107 : memref<128xi32, #tpu.memory_space<vmem>>) semaphore(%arg16 : memref<!tpu.dma_semaphore, #tpu.memory_space<semaphore_mem>>) {add = true}
      %dma_wait3A_111 = arith.constant 31 : i32
      %dma_wait3A_112 = arith.constant 0 : i32
      %dma_wait3A_113 = tpu.memref_slice %arg7[%dma_wait3A_111, %dma_wait3A_112] : memref<32x128xi32, #tpu.memory_space<vmem>> -> memref<1x128xi32, #tpu.memory_space<vmem>>
      %dma_wait3A_114 = tpu.memref_squeeze %dma_wait3A_113 : memref<1x128xi32, #tpu.memory_space<vmem>> -> memref<128xi32, #tpu.memory_space<vmem>>
      %dma_wait3A_115 = arith.constant 0 : i32
      %dma_wait3A_116 = arith.constant 0 : i32
      %dma_wait3A_117 = tpu.memref_slice %arg11[%dma_wait3A_115, %dma_wait3A_116] : memref<10240x128xf32, #tpu.memory_space<vmem_shared>> -> memref<10240x128xf32, #tpu.memory_space<vmem_shared>>
      tpu.wait_indirect_dma semaphore(%arg16 : memref<!tpu.dma_semaphore, #tpu.memory_space<semaphore_mem>>) src(%arg9 : memref<128x128xf32, #tpu.memory_space<vmem>>) dst(%dma_wait3A_117 : memref<10240x128xf32, #tpu.memory_space<vmem_shared>>)
    }
    %scan3A_14 = arith.constant 5 : i32
    %barrier3A_15 = arith.constant 0 : index
    tpu.barrier barrier_id(%barrier3A_15)
    %mul3A_16 = arith.constant 640 : i32
    %mul3A_17 = arith.muli %arg1, %mul3A_16 : i32
    %mul3A_18 = arith.constant 640 : i32
    %mul3A_19 = arith.muli %arg1, %mul3A_18 : i32
    "tpu.region"() ({
      %run_scoped3A = tpu.sem_alloc : memref<!tpu.dma_semaphore, #tpu.memory_space<semaphore_mem>>
      %dma_start3A = arith.constant 0 : i32
      %dma_start3A_20 = arith.constant 0 : i32
      %dma_start3A_21 = tpu.memref_slice %arg5[%arg0, %dma_start3A, %dma_start3A_20] : memref<2x10240x128xf32, #tpu.memory_space<hbm>> -> memref<1x10240x128xf32, #tpu.memory_space<hbm>>
      %dma_start3A_22 = tpu.memref_squeeze %dma_start3A_21 : memref<1x10240x128xf32, #tpu.memory_space<hbm>> -> memref<10240x128xf32, #tpu.memory_space<hbm>>
      %dma_start3A_23 = arith.constant 0 : i32
      %dma_start3A_24 = tpu.memref_slice %dma_start3A_22[%mul3A_19, %dma_start3A_23] : memref<10240x128xf32, #tpu.memory_space<hbm>> -> memref<640x128xf32, #tpu.memory_space<hbm>>
      %dma_start3A_25 = arith.constant 0 : i32
      %dma_start3A_26 = tpu.memref_slice %arg11[%mul3A_17, %dma_start3A_25] : memref<10240x128xf32, #tpu.memory_space<vmem_shared>> -> memref<640x128xf32, #tpu.memory_space<vmem_shared>>
      tpu.enqueue_dma source(%dma_start3A_26 : memref<640x128xf32, #tpu.memory_space<vmem_shared>>) target(%dma_start3A_24 : memref<640x128xf32, #tpu.memory_space<hbm>>) target_semaphore(%run_scoped3A : memref<!tpu.dma_semaphore, #tpu.memory_space<semaphore_mem>>)
      %dma_wait3A = arith.constant 0 : i32
      %dma_wait3A_27 = arith.constant 0 : i32
      %dma_wait3A_28 = tpu.memref_slice %arg5[%arg0, %dma_wait3A, %dma_wait3A_27] : memref<2x10240x128xf32, #tpu.memory_space<hbm>> -> memref<1x10240x128xf32, #tpu.memory_space<hbm>>
      %dma_wait3A_29 = tpu.memref_squeeze %dma_wait3A_28 : memref<1x10240x128xf32, #tpu.memory_space<hbm>> -> memref<10240x128xf32, #tpu.memory_space<hbm>>
      %dma_wait3A_30 = arith.constant 0 : i32
      %dma_wait3A_31 = tpu.memref_slice %dma_wait3A_29[%mul3A_19, %dma_wait3A_30] : memref<10240x128xf32, #tpu.memory_space<hbm>> -> memref<640x128xf32, #tpu.memory_space<hbm>>
      %dma_wait3A_32 = arith.constant 0 : i32
      %dma_wait3A_33 = tpu.memref_slice %arg11[%mul3A_17, %dma_wait3A_32] : memref<10240x128xf32, #tpu.memory_space<vmem_shared>> -> memref<640x128xf32, #tpu.memory_space<vmem_shared>>
      tpu.wait_dma2 semaphore(%run_scoped3A : memref<!tpu.dma_semaphore, #tpu.memory_space<semaphore_mem>>) src(%dma_wait3A_33 : memref<640x128xf32, #tpu.memory_space<vmem_shared>>) dst(%dma_wait3A_31 : memref<640x128xf32, #tpu.memory_space<hbm>>)
      tpu.yield
    }) : () -> ()
    return
  }
}

module attributes {stable_mosaic.version = 14 : i64} {
  func.func @_scale_body(%arg0: i32, %arg1: memref<1024x128xf32, #tpu.memory_space<vmem>>, %arg2: memref<1024x1xf32, #tpu.memory_space<vmem>>, %arg3: memref<1024x128xf32, #tpu.memory_space<vmem>>) attributes {dimension_semantics = [#tpu.dimension_semantics<arbitrary>], iteration_bounds = array<i64: 10>, scalar_prefetch = 0 : i64, scratch_operands = 0 : i64, tpu.core_type = #tpu.core_type<tc>, window_params = [{transform_indices = @transform_0, window_bounds = array<i64: 1024, 128>}, {transform_indices = @transform_1, window_bounds = array<i64: 1024, 1>}, {transform_indices = @transform_2, window_bounds = array<i64: 1024, 128>}]} {
    %get3A = arith.constant 0 : index
    %get3A_0 = arith.constant 0 : index
    %get3A_1 = vector.load %arg2[%get3A, %get3A_0] : memref<1024x1xf32, #tpu.memory_space<vmem>>, vector<1024x1xf32>
    %max3A = arith.constant 1.000000e+00 : f32
    %max3A_2 = vector.broadcast %max3A : f32 to vector<1024x1xf32>
    %max3A_3 = arith.maximumf %get3A_1, %max3A_2 : vector<1024x1xf32>
    %rsqrt3A = math.rsqrt %max3A_3 : vector<1024x1xf32>
    %get3A_4 = arith.constant 0 : index
    %get3A_5 = arith.constant 0 : index
    %get3A_6 = vector.load %arg1[%get3A_4, %get3A_5] : memref<1024x128xf32, #tpu.memory_space<vmem>>, vector<1024x128xf32>
    %mul3A = vector.broadcast %rsqrt3A : vector<1024x1xf32> to vector<1024x128xf32>
    %mul3A_7 = arith.mulf %get3A_6, %mul3A : vector<1024x128xf32>
    %swap3A = arith.constant 0 : index
    %swap3A_8 = arith.constant 0 : index
    %swap3A_9 = vector.load %arg3[%swap3A, %swap3A_8] : memref<1024x128xf32, #tpu.memory_space<vmem>>, vector<1024x128xf32>
    tpu.vector_store %arg3[%swap3A, %swap3A_8], %mul3A_7 {strides = array<i32>} : memref<1024x128xf32, #tpu.memory_space<vmem>>, vector<1024x128xf32>,
    return
  }
  func.func @transform_0(%arg0: i32) -> (i32, i32) {
    %c0_i32 = arith.constant 0 : i32
    %c0_i32_0 = arith.constant 0 : i32
    return %arg0, %c0_i32 : i32, i32
  }
  func.func @transform_1(%arg0: i32) -> (i32, i32) {
    %c0_i32 = arith.constant 0 : i32
    %c0_i32_0 = arith.constant 0 : i32
    return %arg0, %c0_i32 : i32, i32
  }
  func.func @transform_2(%arg0: i32) -> (i32, i32) {
    %c0_i32 = arith.constant 0 : i32
    %c0_i32_0 = arith.constant 0 : i32
    return %arg0, %c0_i32 : i32, i32
  }
}

module attributes {stable_mosaic.version = 14 : i64} {
  func.func @_layer1_body(%arg0: i32, %arg1: memref<2x1024x128xf32, #tpu.memory_space<vmem>>, %arg2: memref<1024x1xf32, #tpu.memory_space<vmem>>, %arg3: memref<1024x1xf32, #tpu.memory_space<vmem>>, %arg4: memref<128x256xf32, #tpu.memory_space<vmem>>, %arg5: memref<1x256xf32, #tpu.memory_space<vmem>>, %arg6: memref<2x1024x128xf32, #tpu.memory_space<vmem>>) attributes {dimension_semantics = [#tpu.dimension_semantics<arbitrary>], iteration_bounds = array<i64: 10>, scalar_prefetch = 0 : i64, scratch_operands = 0 : i64, tpu.core_type = #tpu.core_type<tc>, window_params = [{transform_indices = @transform_0, window_bounds = array<i64: 2, 1024, 128>}, {transform_indices = @transform_1, window_bounds = array<i64: 1024, 1>}, {transform_indices = @transform_2, window_bounds = array<i64: 1024, 1>}, {pipeline_mode = #tpu.pipeline_mode<synchronous>, transform_indices = @transform_3, window_bounds = array<i64: 128, 256>}, {pipeline_mode = #tpu.pipeline_mode<synchronous>, transform_indices = @transform_4, window_bounds = array<i64: 1, 256>}, {transform_indices = @transform_5, window_bounds = array<i64: 2, 1024, 128>}]} {
    %get3A = arith.constant 0 : index
    %get3A_0 = arith.constant 0 : index
    %get3A_1 = vector.load %arg2[%get3A, %get3A_0] : memref<1024x1xf32, #tpu.memory_space<vmem>>, vector<1024x1xf32>
    %max3A = arith.constant 1.000000e+00 : f32
    %max3A_2 = vector.broadcast %max3A : f32 to vector<1024x1xf32>
    %max3A_3 = arith.maximumf %get3A_1, %max3A_2 : vector<1024x1xf32>
    %rsqrt3A = math.rsqrt %max3A_3 : vector<1024x1xf32>
    %get3A_4 = arith.constant 0 : index
    %get3A_5 = arith.constant 0 : index
    %get3A_6 = vector.load %arg3[%get3A_4, %get3A_5] : memref<1024x1xf32, #tpu.memory_space<vmem>>, vector<1024x1xf32>
    %max3A_7 = arith.constant 1.000000e+00 : f32
    %max3A_8 = vector.broadcast %max3A_7 : f32 to vector<1024x1xf32>
    %max3A_9 = arith.maximumf %get3A_6, %max3A_8 : vector<1024x1xf32>
    %rsqrt3A_10 = math.rsqrt %max3A_9 : vector<1024x1xf32>
    %get3A_11 = arith.constant 0 : index
    %get3A_12 = arith.constant 0 : index
    %get3A_13 = arith.constant 0 : index
    %get3A_14 = vector.load %arg1[%get3A_11, %get3A_12, %get3A_13] : memref<2x1024x128xf32, #tpu.memory_space<vmem>>, vector<1x1024x128xf32>
    %get3A_15 = vector.shape_cast %get3A_14 : vector<1x1024x128xf32> to vector<1024x128xf32>
    %get3A_16 = arith.constant 1 : index
    %get3A_17 = arith.constant 0 : index
    %get3A_18 = arith.constant 0 : index
    %get3A_19 = vector.load %arg1[%get3A_16, %get3A_17, %get3A_18] : memref<2x1024x128xf32, #tpu.memory_space<vmem>>, vector<1x1024x128xf32>
    %get3A_20 = vector.shape_cast %get3A_19 : vector<1x1024x128xf32> to vector<1024x128xf32>
    %add3A = arith.addf %get3A_15, %get3A_20 : vector<1024x128xf32>
    %mul3A = vector.broadcast %rsqrt3A : vector<1024x1xf32> to vector<1024x128xf32>
    %mul3A_21 = arith.mulf %add3A, %mul3A : vector<1024x128xf32>
    %get3A_22 = arith.constant 0 : index
    %get3A_23 = arith.constant 0 : index
    %get3A_24 = vector.load %arg4[%get3A_22, %get3A_23] : memref<128x256xf32, #tpu.memory_space<vmem>>, vector<128x256xf32>
    %dot_general3A = arith.constant dense<0.000000e+00> : vector<1024x256xf32>
    %dot_general3A_25 = tpu.matmul %mul3A_21, %get3A_24, %dot_general3A {dimension_numbers = #tpu.dot_dimension_numbers<[1], [0], [0], [1], [0, 0, 1, 1], [], []>, transpose_lhs_hint = false} : vector<1024x128xf32>, vector<128x256xf32>, vector<1024x256xf32> -> vector<1024x256xf32>
    %get3A_26 = arith.constant 0 : index
    %get3A_27 = arith.constant 0 : index
    %get3A_28 = vector.load %arg5[%get3A_26, %get3A_27] : memref<1x256xf32, #tpu.memory_space<vmem>>, vector<1x256xf32>
    %add3A_29 = vector.broadcast %get3A_28 : vector<1x256xf32> to vector<1024x256xf32>
    %add3A_30 = arith.addf %dot_general3A_25, %add3A_29 : vector<1024x256xf32>
    %max3A_31 = arith.constant 0.000000e+00 : f32
    %max3A_32 = vector.broadcast %max3A_31 : f32 to vector<1024x256xf32>
    %max3A_33 = arith.maximumf %add3A_30, %max3A_32 : vector<1024x256xf32>
    %mul3A_34 = vector.broadcast %rsqrt3A_10 : vector<1024x1xf32> to vector<1024x256xf32>
    %mul3A_35 = arith.mulf %max3A_33, %mul3A_34 : vector<1024x256xf32>
    %slice3A = vector.extract_strided_slice %mul3A_35 {offsets = [0, 0], sizes = [1024, 128], strides = [1, 1]} : vector<1024x256xf32> to vector<1024x128xf32>
    %swap3A = arith.constant 0 : index
    %swap3A_36 = arith.constant 0 : index
    %swap3A_37 = arith.constant 0 : index
    %swap3A_38 = vector.load %arg6[%swap3A, %swap3A_36, %swap3A_37] : memref<2x1024x128xf32, #tpu.memory_space<vmem>>, vector<1x1024x128xf32>
    %swap3A_39 = vector.shape_cast %swap3A_38 : vector<1x1024x128xf32> to vector<1024x128xf32>
    %swap3A_40 = vector.shape_cast %slice3A : vector<1024x128xf32> to vector<1x1024x128xf32>
    tpu.vector_store %arg6[%swap3A, %swap3A_36, %swap3A_37], %swap3A_40 {strides = array<i32>} : memref<2x1024x128xf32, #tpu.memory_space<vmem>>, vector<1x1024x128xf32>,
    %slice3A_41 = vector.extract_strided_slice %mul3A_35 {offsets = [0, 128], sizes = [1024, 128], strides = [1, 1]} : vector<1024x256xf32> to vector<1024x128xf32>
    %swap3A_42 = arith.constant 1 : index
    %swap3A_43 = arith.constant 0 : index
    %swap3A_44 = arith.constant 0 : index
    %swap3A_45 = vector.load %arg6[%swap3A_42, %swap3A_43, %swap3A_44] : memref<2x1024x128xf32, #tpu.memory_space<vmem>>, vector<1x1024x128xf32>
    %swap3A_46 = vector.shape_cast %swap3A_45 : vector<1x1024x128xf32> to vector<1024x128xf32>
    %swap3A_47 = vector.shape_cast %slice3A_41 : vector<1024x128xf32> to vector<1x1024x128xf32>
    tpu.vector_store %arg6[%swap3A_42, %swap3A_43, %swap3A_44], %swap3A_47 {strides = array<i32>} : memref<2x1024x128xf32, #tpu.memory_space<vmem>>, vector<1x1024x128xf32>,
    return
  }
  func.func @transform_0(%arg0: i32) -> (i32, i32, i32) {
    %c0_i32 = arith.constant 0 : i32
    %c0_i32_0 = arith.constant 0 : i32
    %c0_i32_1 = arith.constant 0 : i32
    return %c0_i32, %arg0, %c0_i32_0 : i32, i32, i32
  }
  func.func @transform_1(%arg0: i32) -> (i32, i32) {
    %c0_i32 = arith.constant 0 : i32
    %c0_i32_0 = arith.constant 0 : i32
    return %arg0, %c0_i32 : i32, i32
  }
  func.func @transform_2(%arg0: i32) -> (i32, i32) {
    %c0_i32 = arith.constant 0 : i32
    %c0_i32_0 = arith.constant 0 : i32
    return %arg0, %c0_i32 : i32, i32
  }
  func.func @transform_3(%arg0: i32) -> (i32, i32) {
    %c0_i32 = arith.constant 0 : i32
    %c0_i32_0 = arith.constant 0 : i32
    %c0_i32_1 = arith.constant 0 : i32
    return %c0_i32, %c0_i32_0 : i32, i32
  }
  func.func @transform_4(%arg0: i32) -> (i32, i32) {
    %c0_i32 = arith.constant 0 : i32
    %c0_i32_0 = arith.constant 0 : i32
    %c0_i32_1 = arith.constant 0 : i32
    return %c0_i32, %c0_i32_0 : i32, i32
  }
  func.func @transform_5(%arg0: i32) -> (i32, i32, i32) {
    %c0_i32 = arith.constant 0 : i32
    %c0_i32_0 = arith.constant 0 : i32
    %c0_i32_1 = arith.constant 0 : i32
    return %c0_i32, %arg0, %c0_i32_0 : i32, i32, i32
  }
}

module attributes {stable_mosaic.version = 14 : i64} {
  func.func @_layer2_body(%arg0: i32, %arg1: memref<2x1024x128xf32, #tpu.memory_space<vmem>>, %arg2: memref<1024x1xf32, #tpu.memory_space<vmem>>, %arg3: memref<128x256xf32, #tpu.memory_space<vmem>>, %arg4: memref<128x256xf32, #tpu.memory_space<vmem>>, %arg5: memref<1x256xf32, #tpu.memory_space<vmem>>, %arg6: memref<256x1xf32, #tpu.memory_space<vmem>>, %arg7: memref<1x1xf32, #tpu.memory_space<vmem>>, %arg8: memref<1x1xf32, #tpu.memory_space<vmem>>, %arg9: memref<1x256xf32, #tpu.memory_space<vmem>>) attributes {dimension_semantics = [#tpu.dimension_semantics<arbitrary>], iteration_bounds = array<i64: 10>, scalar_prefetch = 0 : i64, scratch_operands = 1 : i64, tpu.core_type = #tpu.core_type<tc>, window_params = [{transform_indices = @transform_0, window_bounds = array<i64: 2, 1024, 128>}, {transform_indices = @transform_1, window_bounds = array<i64: 1024, 1>}, {pipeline_mode = #tpu.pipeline_mode<synchronous>, transform_indices = @transform_2, window_bounds = array<i64: 128, 256>}, {pipeline_mode = #tpu.pipeline_mode<synchronous>, transform_indices = @transform_3, window_bounds = array<i64: 128, 256>}, {pipeline_mode = #tpu.pipeline_mode<synchronous>, transform_indices = @transform_4, window_bounds = array<i64: 1, 256>}, {pipeline_mode = #tpu.pipeline_mode<synchronous>, transform_indices = @transform_5, window_bounds = array<i64: 256, 1>}, {pipeline_mode = #tpu.pipeline_mode<synchronous>, transform_indices = @transform_6, window_bounds = array<i64: 1, 1>}, {pipeline_mode = #tpu.pipeline_mode<synchronous>, transform_indices = @transform_7, window_bounds = array<i64: 1, 1>}]} {
    %get3A = arith.constant 0 : index
    %get3A_0 = arith.constant 0 : index
    %get3A_1 = vector.load %arg2[%get3A, %get3A_0] : memref<1024x1xf32, #tpu.memory_space<vmem>>, vector<1024x1xf32>
    %max3A = arith.constant 1.000000e+00 : f32
    %max3A_2 = vector.broadcast %max3A : f32 to vector<1024x1xf32>
    %max3A_3 = arith.maximumf %get3A_1, %max3A_2 : vector<1024x1xf32>
    %rsqrt3A = math.rsqrt %max3A_3 : vector<1024x1xf32>
    %get3A_4 = arith.constant 0 : index
    %get3A_5 = arith.constant 0 : index
    %get3A_6 = arith.constant 0 : index
    %get3A_7 = vector.load %arg1[%get3A_4, %get3A_5, %get3A_6] : memref<2x1024x128xf32, #tpu.memory_space<vmem>>, vector<1x1024x128xf32>
    %get3A_8 = vector.shape_cast %get3A_7 : vector<1x1024x128xf32> to vector<1024x128xf32>
    %mul3A = vector.broadcast %rsqrt3A : vector<1024x1xf32> to vector<1024x128xf32>
    %mul3A_9 = arith.mulf %get3A_8, %mul3A : vector<1024x128xf32>
    %get3A_10 = arith.constant 1 : index
    %get3A_11 = arith.constant 0 : index
    %get3A_12 = arith.constant 0 : index
    %get3A_13 = vector.load %arg1[%get3A_10, %get3A_11, %get3A_12] : memref<2x1024x128xf32, #tpu.memory_space<vmem>>, vector<1x1024x128xf32>
    %get3A_14 = vector.shape_cast %get3A_13 : vector<1x1024x128xf32> to vector<1024x128xf32>
    %mul3A_15 = vector.broadcast %rsqrt3A : vector<1024x1xf32> to vector<1024x128xf32>
    %mul3A_16 = arith.mulf %get3A_14, %mul3A_15 : vector<1024x128xf32>
    %get3A_17 = arith.constant 0 : index
    %get3A_18 = arith.constant 0 : index
    %get3A_19 = vector.load %arg3[%get3A_17, %get3A_18] : memref<128x256xf32, #tpu.memory_space<vmem>>, vector<128x256xf32>
    %dot_general3A = arith.constant dense<0.000000e+00> : vector<1024x256xf32>
    %dot_general3A_20 = tpu.matmul %mul3A_9, %get3A_19, %dot_general3A {dimension_numbers = #tpu.dot_dimension_numbers<[1], [0], [0], [1], [0, 0, 1, 1], [], []>, transpose_lhs_hint = false} : vector<1024x128xf32>, vector<128x256xf32>, vector<1024x256xf32> -> vector<1024x256xf32>
    %get3A_21 = arith.constant 0 : index
    %get3A_22 = arith.constant 0 : index
    %get3A_23 = vector.load %arg4[%get3A_21, %get3A_22] : memref<128x256xf32, #tpu.memory_space<vmem>>, vector<128x256xf32>
    %dot_general3A_24 = arith.constant dense<0.000000e+00> : vector<1024x256xf32>
    %dot_general3A_25 = tpu.matmul %mul3A_16, %get3A_23, %dot_general3A_24 {dimension_numbers = #tpu.dot_dimension_numbers<[1], [0], [0], [1], [0, 0, 1, 1], [], []>, transpose_lhs_hint = false} : vector<1024x128xf32>, vector<128x256xf32>, vector<1024x256xf32> -> vector<1024x256xf32>
    %add3A = arith.addf %dot_general3A_20, %dot_general3A_25 : vector<1024x256xf32>
    %get3A_26 = arith.constant 0 : index
    %get3A_27 = arith.constant 0 : index
    %get3A_28 = vector.load %arg5[%get3A_26, %get3A_27] : memref<1x256xf32, #tpu.memory_space<vmem>>, vector<1x256xf32>
    %add3A_29 = vector.broadcast %get3A_28 : vector<1x256xf32> to vector<1024x256xf32>
    %add3A_30 = arith.addf %add3A, %add3A_29 : vector<1024x256xf32>
    %max3A_31 = arith.constant 0.000000e+00 : f32
    %max3A_32 = vector.broadcast %max3A_31 : f32 to vector<1024x256xf32>
    %max3A_33 = arith.maximumf %add3A_30, %max3A_32 : vector<1024x256xf32>
    %mul3A_34 = arith.constant 1024 : i32
    %mul3A_35 = arith.muli %arg0, %mul3A_34 : i32
    %iota3A = tpu.iota {dimensions = array<i32: 0>} : vector<1024x1xi32>
    %add3A_36 = vector.broadcast %mul3A_35 : i32 to vector<1024x1xi32>
    %add3A_37 = arith.addi %add3A_36, %iota3A : vector<1024x1xi32>
    %lt3A = arith.constant 10000 : i32
    %lt3A_38 = vector.broadcast %lt3A : i32 to vector<1024x1xi32>
    %lt3A_39 = arith.cmpi slt, %add3A_37, %lt3A_38 : vector<1024x1xi32>
    %jit3A = arith.constant 0.000000e+00 : f32
    %broadcast_in_dim3A = vector.shape_cast %lt3A_39 : vector<1024x1xi1> to vector<1024x1xi1>
    %broadcast_in_dim3A_40 = vector.broadcast %broadcast_in_dim3A : vector<1024x1xi1> to vector<1024x256xi1>
    %broadcast_in_dim3A_41 = vector.broadcast %jit3A : f32 to vector<1024x256xf32>
    %select_n3A = arith.select %broadcast_in_dim3A_40, %max3A_33, %broadcast_in_dim3A_41 : vector<1024x256xi1>, vector<1024x256xf32>
    %reduce_sum3A = arith.constant dense<0.000000e+00> : vector<256xf32>
    %reduce_sum3A_42 = vector.multi_reduction <add>, %select_n3A, %reduce_sum3A [0] : vector<1024x256xf32> to vector<256xf32>
    %broadcast_in_dim3A_43 = vector.shape_cast %reduce_sum3A_42 : vector<256xf32> to vector<1x256xf32>
    %eq3A = arith.constant 0 : i32
    %eq3A_44 = arith.cmpi eq, %arg0, %eq3A : i32
    %convert_element_type3A = arith.extui %eq3A_44 : i1 to i32
    %cond3A = arith.constant 0 : i32
    %cond3A_45 = arith.cmpi ne, %convert_element_type3A, %cond3A : i32
    scf.if %cond3A_45 {
      %swap3A = arith.constant 0 : index
      %swap3A_55 = arith.constant 0 : index
      %swap3A_56 = vector.load %arg9[%swap3A, %swap3A_55] : memref<1x256xf32, #tpu.memory_space<vmem>>, vector<1x256xf32>
      tpu.vector_store %arg9[%swap3A, %swap3A_55], %broadcast_in_dim3A_43 {strides = array<i32>} : memref<1x256xf32, #tpu.memory_space<vmem>>, vector<1x256xf32>,
    } else {
    }
    %gt3A = arith.constant 0 : i32
    %gt3A_46 = arith.cmpi sgt, %arg0, %gt3A : i32
    %convert_element_type3A_47 = arith.extui %gt3A_46 : i1 to i32
    %cond3A_48 = arith.constant 0 : i32
    %cond3A_49 = arith.cmpi ne, %convert_element_type3A_47, %cond3A_48 : i32
    scf.if %cond3A_49 {
      %get3A_55 = arith.constant 0 : index
      %get3A_56 = arith.constant 0 : index
      %get3A_57 = vector.load %arg9[%get3A_55, %get3A_56] : memref<1x256xf32, #tpu.memory_space<vmem>>, vector<1x256xf32>
      %add3A_58 = arith.addf %get3A_57, %broadcast_in_dim3A_43 : vector<1x256xf32>
      %swap3A = arith.constant 0 : index
      %swap3A_59 = arith.constant 0 : index
      %swap3A_60 = vector.load %arg9[%swap3A, %swap3A_59] : memref<1x256xf32, #tpu.memory_space<vmem>>, vector<1x256xf32>
      tpu.vector_store %arg9[%swap3A, %swap3A_59], %add3A_58 {strides = array<i32>} : memref<1x256xf32, #tpu.memory_space<vmem>>, vector<1x256xf32>,
    } else {
    }
    %eq3A_50 = arith.constant 9 : i32
    %eq3A_51 = arith.cmpi eq, %arg0, %eq3A_50 : i32
    %convert_element_type3A_52 = arith.extui %eq3A_51 : i1 to i32
    %cond3A_53 = arith.constant 0 : i32
    %cond3A_54 = arith.cmpi ne, %convert_element_type3A_52, %cond3A_53 : i32
    scf.if %cond3A_54 {
      %get3A_55 = arith.constant 0 : index
      %get3A_56 = arith.constant 0 : index
      %get3A_57 = vector.load %arg9[%get3A_55, %get3A_56] : memref<1x256xf32, #tpu.memory_space<vmem>>, vector<1x256xf32>
      %mul3A_58 = arith.constant 9.99999974E-5 : f32
      %mul3A_59 = vector.broadcast %mul3A_58 : f32 to vector<1x256xf32>
      %mul3A_60 = arith.mulf %get3A_57, %mul3A_59 : vector<1x256xf32>
      %get3A_61 = arith.constant 0 : index
      %get3A_62 = arith.constant 0 : index
      %get3A_63 = vector.load %arg6[%get3A_61, %get3A_62] : memref<256x1xf32, #tpu.memory_space<vmem>>, vector<256x1xf32>
      %dot_general3A_64 = arith.constant dense<0.000000e+00> : vector<1x1xf32>
      %dot_general3A_65 = tpu.matmul %mul3A_60, %get3A_63, %dot_general3A_64 {dimension_numbers = #tpu.dot_dimension_numbers<[1], [0], [0], [1], [0, 0, 1, 1], [], []>, transpose_lhs_hint = false} : vector<1x256xf32>, vector<256x1xf32>, vector<1x1xf32> -> vector<1x1xf32>
      %get3A_66 = arith.constant 0 : index
      %get3A_67 = arith.constant 0 : index
      %get3A_68 = vector.load %arg7[%get3A_66, %get3A_67] : memref<1x1xf32, #tpu.memory_space<vmem>>, vector<1x1xf32>
      %add3A_69 = arith.addf %dot_general3A_65, %get3A_68 : vector<1x1xf32>
      %neg3A = arith.constant 0.000000e+00 : f32
      %neg3A_70 = vector.broadcast %neg3A : f32 to vector<1x1xf32>
      %neg3A_71 = arith.subf %neg3A_70, %add3A_69 : vector<1x1xf32>
      %exp3A = math.exp %neg3A_71 : vector<1x1xf32>
      %add3A_72 = arith.constant 1.000000e+00 : f32
      %add3A_73 = vector.broadcast %add3A_72 : f32 to vector<1x1xf32>
      %add3A_74 = arith.addf %add3A_73, %exp3A : vector<1x1xf32>
      %div3A = arith.constant 1.000000e+00 : f32
      %div3A_75 = vector.broadcast %div3A : f32 to vector<1x1xf32>
      %div3A_76 = arith.divf %div3A_75, %add3A_74 : vector<1x1xf32>
      %swap3A = arith.constant 0 : index
      %swap3A_77 = arith.constant 0 : index
      %swap3A_78 = vector.load %arg8[%swap3A, %swap3A_77] : memref<1x1xf32, #tpu.memory_space<vmem>>, vector<1x1xf32>
      tpu.vector_store %arg8[%swap3A, %swap3A_77], %div3A_76 {strides = array<i32>} : memref<1x1xf32, #tpu.memory_space<vmem>>, vector<1x1xf32>,
    } else {
    }
    return
  }
  func.func @transform_0(%arg0: i32) -> (i32, i32, i32) {
    %c0_i32 = arith.constant 0 : i32
    %c0_i32_0 = arith.constant 0 : i32
    %c0_i32_1 = arith.constant 0 : i32
    return %c0_i32, %arg0, %c0_i32_0 : i32, i32, i32
  }
  func.func @transform_1(%arg0: i32) -> (i32, i32) {
    %c0_i32 = arith.constant 0 : i32
    %c0_i32_0 = arith.constant 0 : i32
    return %arg0, %c0_i32 : i32, i32
  }
  func.func @transform_2(%arg0: i32) -> (i32, i32) {
    %c0_i32 = arith.constant 0 : i32
    %c0_i32_0 = arith.constant 0 : i32
    %c0_i32_1 = arith.constant 0 : i32
    return %c0_i32, %c0_i32_0 : i32, i32
  }
  func.func @transform_3(%arg0: i32) -> (i32, i32) {
    %c0_i32 = arith.constant 0 : i32
    %c0_i32_0 = arith.constant 0 : i32
    %c0_i32_1 = arith.constant 0 : i32
    return %c0_i32, %c0_i32_0 : i32, i32
  }
  func.func @transform_4(%arg0: i32) -> (i32, i32) {
    %c0_i32 = arith.constant 0 : i32
    %c0_i32_0 = arith.constant 0 : i32
    %c0_i32_1 = arith.constant 0 : i32
    return %c0_i32, %c0_i32_0 : i32, i32
  }
  func.func @transform_5(%arg0: i32) -> (i32, i32) {
    %c0_i32 = arith.constant 0 : i32
    %c0_i32_0 = arith.constant 0 : i32
    %c0_i32_1 = arith.constant 0 : i32
    return %c0_i32, %c0_i32_0 : i32, i32
  }
  func.func @transform_6(%arg0: i32) -> (i32, i32) {
    %c0_i32 = arith.constant 0 : i32
    %c0_i32_0 = arith.constant 0 : i32
    %c0_i32_1 = arith.constant 0 : i32
    return %c0_i32, %c0_i32_0 : i32, i32
  }
  func.func @transform_7(%arg0: i32) -> (i32, i32) {
    %c0_i32 = arith.constant 0 : i32
    %c0_i32_0 = arith.constant 0 : i32
    %c0_i32_1 = arith.constant 0 : i32
    return %c0_i32, %c0_i32_0 : i32, i32
  }
}

</mosaic_0001>

<sc_bundles>
// kernel: kernel.11.cloned.1.call-start
scs
__scs_entry_jumppad:
0x0: {  	(pc) =	sbr.rel $0x88, $3  }
0x1: {  	(tag) =	ssettag $0x0;
	lr =	simm.s32 $0x1  }
0x2: {  	[smem:$0x3F99] =	sst lr;
	_ =	strace $0xD0000000  }
0x3: {  	_ = 	snop  }
0x4: {  	_ = 	snop  }
0x5: {  	_ = 	snop  }
0x6: {  	_ = 	snop  }
0x7: {  	_ = 	snop  }
__scs_overlays_trampoline_lowered:
0x8: {  	[smem:$0x3FA8] =	sst s0  }
0x9: {  	[smem:$0x3FA9] =	sst s1  }
0xa: {  	[smem:$0x3FAA] =	sst s2  }
0xb: {  	[smem:$0x3FAB] =	sst s3  }
0xc: {  	[smem:$0x3FAC] =	sst s4  }
0xd: {  	[smem:$0x3FAD] =	sst s5  }
0xe: {  	[smem:$0x3FAE] =	sst s6  }
0xf: {  	[smem:$0x3FAF] =	sst s7  }
0x10: {  	[smem:$0x3FB0] =	sst s8  }
0x11: {  	[smem:$0x3FB1] =	sst s9;
	s0 =	simm.s32 @!p0 $0x0  }
0x12: {  	s1 =	sld [smem:$0x3F97];
	s0 =	simm.s32 @p0 $0x1  }
0x13: {  	[smem:$0x3FB2] =	sst s0;
	s0 =	simm.s32 @!p1 $0x0  }
0x14: {  	s2 =	sld [smem:$0x3F96];
	s0 =	simm.s32 @p1 $0x1  }
0x15: {  	[smem:$0x3FB3] =	sst s0;
	s0 =	simm.s32 @!p2 $0x0  }
0x16: {  	s3 =	sld [smem:$0x3FDB];
	s0 =	simm.s32 @p2 $0x1  }
0x17: {  	s4 =	simm.s32 $0x1BF5;
	[smem:$0x3FB5] =	sst s0  }
0x18: {  	s0 =	sld [smem:$0x3F98];
	_ =	swait.ge [sflag:s4], $0x0  }
0x19: {  	s7 =	sld [smem:$0x3F99]  }
0x1a: {  	s8 =	sadd.s32 $0xFFFFE003, lr  }
0x1b: {  	s9 =	sadd.s32 $0xFFFFFEF7, lr;
	s5 =	simm.s32 $0xFFFFFFFF;
	p2 =	slt.u32 s8, $0xFFFFF086  }
0x1c: {  	p1 =	slt.u32 s9, $0xF7A;
	s5 =	simm.s32 @!p2 $0x0  }
0x1d: {  	s5 =	simm.s32 @p1 $0x1;
	p0 =	seq.s32 s7, s2  }
0x1e: {  	s7 =	smul.u32 @!p0 $0xF7A, s2;
	p2 =	seq.s32 @!p0 s5, $0x0  }
0x1f: {  	s9 =	smul.u32 $0xF7A, s1;
	s8 =	simm.s32 @!p0 $0x1BF5;
	p2 =	por !p2, p0  }
0x20: {  	[sflag:s8] =	ssyncset.s32 @!p0 $0xFFFFF086;
	s6 =	sadd.s32 @!p0 s3, s7;
	s7 =	simm.s32 @!p0 $0x108  }
0x21: {  	s3 =	sadd.s32 s3, s9;
	s6 =	sadd.s32 @!p0 $0x88, s6;
	s7 =	simm.s32 @p2 $0x1082  }
0x22: {  	[simem:s7], [sflag:s8] =	dma.local @!p0 [hbm:s6], $0xF7A  }
0x23: {  	s9 =	sor.u32 $0xD0000000, s2;
	s6 =	simm.s32 $0x108;
	_ =	swait.ge @!p0 [sflag:s8], $0x0  }
0x24: {  	s3 =	sadd.s32 $0x88, s3;
	s6 =	simm.s32 @!p1 $0x1082;
	[sflag:s4] =	ssyncset.s32 $0xFFFFF086  }
0x25: {  	[simem:s6], [sflag:s4] =	dma.local [hbm:s3], $0xF7A  }
0x26: {  	[smem:$0x3F99] =	sst s1;
	(tag) =	ssettag s2;
	_ =	strace s9  }
0x27: {  	s1 =	sld [smem:$0x3FA9]  }
0x28: {  	s2 =	sld [smem:$0x3FAA]  }
0x29: {  	s4 =	sld [smem:$0x3FAC]  }
0x2a: {  	p0 =	seq.s32 s5, $0x0;
	s5 =	sld [smem:$0x3FAD]  }
0x2b: {  	s6 =	sld [smem:$0x3FAE]  }
0x2c: {  	s7 =	sld [smem:$0x3FAF]  }
0x2d: {  	s3 =	simm.s32 $0x108;
	s8 =	sld [smem:$0x3FB0]  }
0x2e: {  	s3 =	simm.s32 @!p0 $0x1082;
	s9 =	sld [smem:$0x3FB1]  }
0x2f: {  	lr =	sadd.s32 s0, s3;
	s0 =	sld [smem:$0x3FA8]  }
0x30: {  	s3 =	sld [smem:$0x3FAB]  }
0x31: {  	[smem:$0x3FB4] =	sst s10  }
0x32: {  	s10 =	sld [smem:$0x3FB2];
	_ =	sdelay $0x3  }
0x33: {  	p0 =	seq.s32 s10, $0x1;
	s10 =	sld [smem:$0x3FB4];
	_ =	sdelay $0x3  }
0x34: {  	[smem:$0x3FB4] =	sst s10  }
0x35: {  	s10 =	sld [smem:$0x3FB3];
	_ =	sdelay $0x3  }
0x36: {  	p1 =	seq.s32 s10, $0x1;
	s10 =	sld [smem:$0x3FB4];
	_ =	sdelay $0x3  }
0x37: {  	[smem:$0x3FB4] =	sst s10  }
0x38: {  	s10 =	sld [smem:$0x3FB5]  }
0x39: {  	_ = 	snop;
	(pc) =	sbr.ind lr, $3  }
0x3a: {  	_ = 	snop  }
0x3b: {  	_ = 	snop  }
0x3c: {  	p2 =	seq.s32 s10, $0x1;
	s10 =	sld [smem:$0x3FB4]  }
0x3d: {  	_ =	shalt  }
0x3e: {  	_ =	shalt  }
0x3f: {  	_ =	shalt  }
0x40: {  	_ =	shalt  }
0x41: {  	_ =	shalt  }
0x42: {  	_ =	shalt  }
0x43: {  	_ =	shalt  }
0x44: {  	_ =	shalt  }
0x45: {  	_ =	shalt  }
0x46: {  	_ =	shalt  }
0x47: {  	_ =	shalt  }
0x48: {  	_ =	shalt  }
0x49: {  	_ =	shalt  }
0x4a: {  	_ =	shalt  }
0x4b: {  	_ =	shalt  }
0x4c: {  	_ =	shalt  }
0x4d: {  	_ =	shalt  }
0x4e: {  	_ =	shalt  }
0x4f: {  	_ =	shalt  }
0x50: {  	_ =	shalt  }
0x51: {  	_ =	shalt  }
0x52: {  	_ =	shalt  }
0x53: {  	_ =	shalt  }
0x54: {  	_ =	shalt  }
0x55: {  	_ =	shalt  }
0x56: {  	_ =	shalt  }
0x57: {  	_ =	shalt  }
0x58: {  	_ =	shalt  }
0x59: {  	_ =	shalt  }
0x5a: {  	_ =	shalt  }
0x5b: {  	_ =	shalt  }
0x5c: {  	_ =	shalt  }
0x5d: {  	_ =	shalt  }
0x5e: {  	_ =	shalt  }
0x5f: {  	_ =	shalt  }
0x60: {  	_ =	shalt  }
0x61: {  	_ =	shalt  }
0x62: {  	_ =	shalt  }
0x63: {  	_ =	shalt  }
0x64: {  	_ =	shalt  }
0x65: {  	_ =	shalt  }
0x66: {  	_ =	shalt  }
0x67: {  	_ =	shalt  }
0x68: {  	_ =	shalt  }
0x69: {  	_ =	shalt  }
0x6a: {  	_ =	shalt  }
0x6b: {  	_ =	shalt  }
0x6c: {  	_ =	shalt  }
0x6d: {  	_ =	shalt  }
0x6e: {  	_ =	shalt  }
0x6f: {  	_ =	shalt  }
0x70: {  	_ =	shalt  }
0x71: {  	_ =	shalt  }
0x72: {  	_ =	shalt  }
0x73: {  	_ =	shalt  }
0x74: {  	_ =	shalt  }
0x75: {  	_ =	shalt  }
0x76: {  	_ =	shalt  }
0x77: {  	_ =	shalt  }
0x78: {  	_ =	shalt  }
0x79: {  	_ =	shalt  }
0x7a: {  	_ =	shalt  }
0x7b: {  	_ =	shalt  }
0x7c: {  	_ =	shalt  }
0x7d: {  	_ =	shalt  }
0x7e: {  	_ =	shalt  }
0x7f: {  	_ =	shalt  }
0x80: {  	_ =	shalt  }
0x81: {  	_ =	shalt  }
0x82: {  	_ =	shalt  }
0x83: {  	_ =	shalt  }
0x84: {  	_ =	shalt  }
0x85: {  	_ =	shalt  }
0x86: {  	_ =	shalt  }
0x87: {  	_ =	shalt  }
.Lfunc_end0:
.L_simem_size_0:
called_computation.1_lowered:
.L_overlay_start_0:
0x88: {  	s2 =	sld [smem:$0x3FD9]  }
0x89: {  	s3 =	sld [smem:$0x3FFE];
	_ =	sdelay $0x1  }
0x8a: {  	s1 =	srdreg.scid  }
0x8b: {  	s0 =	sand.u32 $0x1, s1  }
0x8c: {  	s16 =	sshll.u32 s0, $0xA;
	s2 =	sadd.s32 s3, s2  }
0x8d: {  	s2 =	sadd.s32 s2, s16  }
0x8e: {  	[smem:$0x3FC0] =	sst s2  }
0x8f: {  	_ = 	snop  }
0x90: {  	(tm) =	ssettm $0x1  }
0x91: {  	s17 =	sld [smem:$0x3FFB];
	_ =	sdelay $0x3  }
0x92: {  	_ =	strace s17  }
0x93: {  	s2 =	sld [smem:$0x3FFC];
	_ =	sdelay $0x3  }
0x94: {  	_ =	strace s2  }
0x95: {  	s2 =	sld [smem:$0x3FFD];
	_ =	sdelay $0x3  }
0x96: {  	_ =	strace s2  }
0x97: {  	_ =	strace $0x8FFFFFFF  }
0x98: {  	s18 =	sld [smem:$0x3FDB];
	_ =	sdelay $0x1  }
0x99: {  	s19 =	simm.s32 $_scs_section_size  }
0x9a: {  	s4 =	simm.s32 $_size__tile_overlayer_lowered;
	s5 =	simm.s32 $_tile_overlayer_lowered  }
0x9b: {  	s22 =	simm.s32 $0x1BFF;
	s21 =	sshll.u32 s5, $0x1;
	s2 =	sadd.s32 s19, s18  }
0x9c: {  	s6 =	simm.s32 $0x0;
	s20 =	sshll.u32 s4, $0x1;
	s4 =	sadd.s32 s21, s2  }
0x9d: {  	[timem:s6], [sflag:s22] =	dma.local [hbm:s4], s20  }
0x9e: {  	_ =	swait.ge [sflag:s22], s20  }
0x9f: {  	s3 =	ssub.s32 $0x0, s20;
	[sflag:s22] =	ssyncset.done $0x0  }
0xa0: {  	[sflag:s22] =	ssyncadd.s32 s3;
	_ =	sdelay $0x1  }
0xa1: {  	s23 =	simm.s32 $0x1B8B  }
0xa2: {  	_ =	swait.ge [sflag:s23], $0x1  }
0xa3: {  	[sflag:s23] =	ssyncset.done $0x0  }
0xa4: {  	s25 =	simm.s32 $0x1B8E;
	s24 =	sld [smem:$0x3FFE];
	[sflag:s23] =	ssyncadd.s32 $0xFFFFFFFF  }
0xa5: {  	s26 =	simm.s32 $execute0_lowered;
	[smem:$0x3FD2] =	sst s25  }
0xa6: {  	s4 =	sshll.u32 s26, $0x1;
	_ =	strace $0x80000049;
	[dreg:$0x1] =	wrdreg $0xFFFFFFFF  }
0xa7: {  	s28 =	simm.s32 $_size_execute0_lowered;
	s2 =	sadd.s32 s2, s4;
	[dreg:$0x0] =	wrdreg $0x0  }
0xa8: {  	s4 =	sshll.u32 s28, $0x1;
	[dreg:$0x2] =	wrdreg s2  }
0xa9: {  	[dreg:$0x3] =	wrdreg s4  }
0xaa: {  	[dreg:$0x4] =	wrdreg $0xC0  }
0xab: {  	_ =	task [dreg:s6], $0x5FFFF  }
0xac: {  	[dreg:$0x1] =	wrdreg $0xFFFFFFFF  }
0xad: {  	[dreg:$0x0] =	wrdreg $0x60  }
0xae: {  	[dreg:$0x2] =	wrdreg s24  }
0xaf: {  	[dreg:$0x3] =	wrdreg $0xB8000  }
0xb0: {  	[dreg:$0x4] =	wrdreg $0x9  }
0xb1: {  	_ =	task.clear_ibuf [dreg:s6], $0x5FFFF;
	_ =	strace $0x90000049  }
0xb2: {  	s29 =	simm.s32 $0x9;
	_ =	strace $0x8000004B  }
0xb3: {  	_ =	swait.ge [sflag:s29], $0x1  }
0xb4: {  	[sflag:s29] =	ssyncadd.s32 $0xFFFFFFFF  }
0xb5: {  	_ =	strace $0x9000004B  }
0xb6: {  	_ =	sfence  }
0xb7: {  	s30 =	sld [smem:$0x0];
	_ =	sdelay $0x2  }
0xb8: {  	s31 =	sshll.u32 s1, $0xD;
	s1 =	sshrl.u32 s1, $0x2  }
0xb9: {  	s3 =	sand.u32 $0x4000, s31;
	s1 =	sadd.s32 s1, s30  }
0xba: {  	s0 =	sor.u32 s3, s0;
	s1 =	sshll.u32 s1, $0x11  }
0xbb: {  	s0 =	sor.u32 s1, s0  }
0xbc: {  	s0 =	sadd.s32 $0x8F2B, s0  }
0xbd: {  	[sflag:s0] =	ssyncadd.remote.s32 $0x1  }
0xbe: {  	_ =	sfence.sel $0xFFFF  }
0xbf: {  	[dreg:$0x0] =	wrdreg $0xFFFFFFFF;
	(pc) =	sbr.abs _section_cstart, $3  }
0xc0: {  	[dreg:$0x1] =	wrdreg $0xFFFFFFFF  }
0xc1: {  	_ =	task.clear_ibuf [dreg:s6], $0x2FFFF;
	_ =	strace $0x9FFFFFFF  }
0xc2: {  	(tm) =	ssettm $0x7FFFFFFF  }
0xc3: {  	_ =	shalt  }
tec
execute0_lowered:
.L_overlay_start_1:
0x0: {  	(tag) =	ssettag $0x1  }
0x1: {  	s0 =	rddreg [dreg:$0x0]  }
0x2: {  	s1 =	rddreg [dreg:$0x1]  }
0x3: {  	s2 =	simm.s32 $0x0;
	s3 =	srdreg.scid;
	s10 =	stileid.u32  }
0x4: {  	[smem:$0x7FF] =	sst s2;
	s3 =	sand.u32 $0x1, s3;
	s6 =	sadd.s32 $0xCA00, s0  }
0x5: {  	s7 =	sadd.s32 $0x2A00, s0;
	s8 =	smul.u32 $0x50000, s10;
	s11 =	ssub.s32 $0x2, s3  }
0x6: {  	s4 =	sadd.s32 $0x16A00, s0;
	s5 =	smul.u32 $0x28000, s3;
	s9 =	sshrl.u32 s11, $0x1  }
0x7: {  	s12 =	smul.u32 $0x2800, s10;
	s8 =	sshrl.u32 s8, $0x2;
	s9 =	ssub.s32 s11, s9  }
0x8: {  	s0 =	sadd.s32 s5, s0;
	s5 =	sadd.s32 s8, s1;
	s9 =	smax.u32 s9, $0x1  }
0x9: {  	_ =	strace $0x8000004A;
	s13 =	sadd.s32 $0x1000, s5;
	[dreg:$0x3] =	wrdreg s9  }
0xa: {  	s3 =	sshll.u32 s3, $0x4;
	s14 =	sadd.s32 $0x2000, s5;
	[dreg:$0x4] =	wrdreg s13  }
0xb: {  	s3 =	sor.u32 s10, s3;
	s15 =	sadd.s32 $0x3000, s5;
	[dreg:$0x5] =	wrdreg s14  }
0xc: {  	s10 =	simm.s32 $0x2800;
	s16 =	sadd.s32 $0x4000, s5;
	[dreg:$0x6] =	wrdreg s15  }
0xd: {  	s3 =	smul.u32 $0x500, s3;
	s17 =	sadd.s32 $0x5000, s5;
	[dreg:$0x7] =	wrdreg s16  }
0xe: {  	s8 =	simm.s32 $0x3;
	s18 =	sadd.s32 $0x6000, s5;
	[dreg:$0x8] =	wrdreg s17  }
0xf: {  	s11 =	simm.s32 $0x6800;
	s19 =	sadd.s32 $0x7000, s5;
	[dreg:$0x9] =	wrdreg s18  }
0x10: {  	s0 =	sadd.s32 $0x3EA00, s0;
	s20 =	sadd.s32 $0x8000, s5;
	[dreg:$0xa] =	wrdreg s19  }
0x11: {  	s21 =	sadd.s32 $0x9000, s5;
	s22 =	sadd.s32 $0xA000, s5;
	[dreg:$0xb] =	wrdreg s20  }
0x12: {  	s23 =	sadd.s32 $0xB000, s5;
	s24 =	sadd.s32 $0xC000, s5;
	[dreg:$0xc] =	wrdreg s21  }
0x13: {  	s28 =	sadd.s32 $0x10000, s5;
	s29 =	sadd.s32 $0x11000, s5;
	[dreg:$0xd] =	wrdreg s22  }
0x14: {  	s30 =	sadd.s32 $0x12000, s5;
	s31 =	sadd.s32 $0x13000, s5;
	[dreg:$0xe] =	wrdreg s23  }
0x15: {  	[dreg:$0xf] =	wrdreg s24;
	s25 =	sadd.s32 s6, s3;
	s26 =	sadd.s32 $0x280, s3  }
0x16: {  	s20 =	sadd.s32 s7, s3;
	s23 =	sadd.s32 $0xD000, s5;
	s24 =	sadd.s32 s12, s0  }
0x17: {  	s0 =	simm.s32 $0xA800;
	s3 =	simm.s32 $0x6;
	s9 =	simm.s32 $0x80  }
0x18: {  	s12 =	simm.s32 $0x2;
	s13 =	simm.s32 $0x4;
	s14 =	simm.s32 $0x5  }
0x19: {  	s15 =	simm.s32 $0x2780;
	s16 =	simm.s32 $0x0;
	[dreg:$0x10] =	wrdreg s25  }
0x1a: {  	s21 =	sadd.s32 s6, s26;
	s22 =	sadd.s32 s7, s26;
	s25 =	sadd.s32 $0xE000, s5  }
0x1b: {  	v0 =	vimm.f32 $0.0e+00;
	s26 =	sadd.s32 $0xF000, s5;
	s6 =	simm.s32 $0x1400;
	s7 =	simm.s32 $0x1  }
.LBB2_1:
0x1c: {  	s17 =	simm.s32 $0x0;
	s18 =	simm.s32 $0x200  }
.LBB2_2:
0x1d: {  	p0 =	sne.s32 s18, $0x3E00;
	[tilespmem:s17+$0xA870] =	vst v0  }
0x1e: {  	[tilespmem:s17+$0xA800] =	vst v0  }
0x1f: {  	[tilespmem:s17+$0xA810] =	vst v0  }
.Ltmp0:
0x20: {  	[tilespmem:s17+$0xA820] =	vst v0;
	(pc) =	sbr.rel @p0 .LBB2_2-.Ltmp0, $4  }
0x21: {  	[tilespmem:s17+$0xA830] =	vst v0  }
0x22: {  	[tilespmem:s17+$0xA840] =	vst v0  }
0x23: {  	[tilespmem:s17+$0xA850] =	vst v0  }
0x24: {  	[tilespmem:s17+$0xA860] =	vst v0;
	s17 =	sshra.s32 s18, $0x2;
	s18 =	sadd.s32 $0x200, s18  }
0x25: {  	[tilespmem:s17+$0xA870] =	vst v0  }
0x26: {  	[tilespmem:s17+$0xA800] =	vst v0  }
0x27: {  	[tilespmem:s17+$0xA810] =	vst v0  }
0x28: {  	[tilespmem:s17+$0xA820] =	vst v0  }
0x29: {  	[tilespmem:s17+$0xA830] =	vst v0  }
0x2a: {  	[tilespmem:s17+$0xA840] =	vst v0  }
0x2b: {  	[tilespmem:s17+$0xA850] =	vst v0  }
0x2c: {  	[tilespmem:s17+$0xA860] =	vst v0  }
0x2d: {  	[spmem:s5] =	stream.linear.scatter [tilespmem:s0], [sflag:$0x6], $0x1000, $0x38;
	[tilespmem:$0x1F800] =	vst v63  }
0x2e: {  	_ =	swait.ge [sflag:s3], $0x1000  }
0x2f: {  	[sflag:s3] =	ssyncset.done $0x0  }
0x30: {  	s18 =	rddreg [dreg:$0x4];
	[sflag:s3] =	ssyncadd.s32 $0xFFFFF000  }
0x31: {  	[spmem:s18] =	stream.linear.scatter [tilespmem:s0], [sflag:$0x6], $0x1000, $0x38;
	[tilespmem:$0x1F800] =	vst v63  }
0x32: {  	_ =	swait.ge [sflag:s3], $0x1000  }
0x33: {  	[sflag:s3] =	ssyncset.done $0x0  }
0x34: {  	s19 =	rddreg [dreg:$0x5];
	[sflag:s3] =	ssyncadd.s32 $0xFFFFF000  }
0x35: {  	[spmem:s19] =	stream.linear.scatter [tilespmem:s0], [sflag:$0x6], $0x1000, $0x38;
	[tilespmem:$0x1F800] =	vst v63  }
0x36: {  	_ =	swait.ge [sflag:s3], $0x1000  }
0x37: {  	[sflag:s3] =	ssyncset.done $0x0  }
0x38: {  	s18 =	rddreg [dreg:$0x6];
	[sflag:s3] =	ssyncadd.s32 $0xFFFFF000  }
0x39: {  	[spmem:s18] =	stream.linear.scatter [tilespmem:s0], [sflag:$0x6], $0x1000, $0x38;
	[tilespmem:$0x1F800] =	vst v63  }
0x3a: {  	_ =	swait.ge [sflag:s3], $0x1000  }
0x3b: {  	[sflag:s3] =	ssyncset.done $0x0  }
0x3c: {  	s19 =	rddreg [dreg:$0x7];
	[sflag:s3] =	ssyncadd.s32 $0xFFFFF000  }
0x3d: {  	[spmem:s19] =	stream.linear.scatter [tilespmem:s0], [sflag:$0x6], $0x1000, $0x38;
	[tilespmem:$0x1F800] =	vst v63  }
0x3e: {  	_ =	swait.ge [sflag:s3], $0x1000  }
0x3f: {  	[sflag:s3] =	ssyncset.done $0x0  }
0x40: {  	s18 =	rddreg [dreg:$0x8];
	[sflag:s3] =	ssyncadd.s32 $0xFFFFF000  }
0x41: {  	[spmem:s18] =	stream.linear.scatter [tilespmem:s0], [sflag:$0x6], $0x1000, $0x38;
	[tilespmem:$0x1F800] =	vst v63  }
0x42: {  	_ =	swait.ge [sflag:s3], $0x1000  }
0x43: {  	[sflag:s3] =	ssyncset.done $0x0  }
0x44: {  	s19 =	rddreg [dreg:$0x9];
	[sflag:s3] =	ssyncadd.s32 $0xFFFFF000  }
0x45: {  	[spmem:s19] =	stream.linear.scatter [tilespmem:s0], [sflag:$0x6], $0x1000, $0x38;
	[tilespmem:$0x1F800] =	vst v63  }
0x46: {  	_ =	swait.ge [sflag:s3], $0x1000  }
0x47: {  	[sflag:s3] =	ssyncset.done $0x0  }
0x48: {  	s18 =	rddreg [dreg:$0xa];
	[sflag:s3] =	ssyncadd.s32 $0xFFFFF000  }
0x49: {  	[spmem:s18] =	stream.linear.scatter [tilespmem:s0], [sflag:$0x6], $0x1000, $0x38;
	[tilespmem:$0x1F800] =	vst v63  }
0x4a: {  	_ =	swait.ge [sflag:s3], $0x1000  }
0x4b: {  	[sflag:s3] =	ssyncset.done $0x0  }
0x4c: {  	s19 =	rddreg [dreg:$0xb];
	[sflag:s3] =	ssyncadd.s32 $0xFFFFF000  }
0x4d: {  	[spmem:s19] =	stream.linear.scatter [tilespmem:s0], [sflag:$0x6], $0x1000, $0x38;
	[tilespmem:$0x1F800] =	vst v63  }
0x4e: {  	_ =	swait.ge [sflag:s3], $0x1000  }
0x4f: {  	[sflag:s3] =	ssyncset.done $0x0  }
0x50: {  	s18 =	rddreg [dreg:$0xc];
	[sflag:s3] =	ssyncadd.s32 $0xFFFFF000  }
0x51: {  	[spmem:s18] =	stream.linear.scatter [tilespmem:s0], [sflag:$0x6], $0x1000, $0x38;
	[tilespmem:$0x1F800] =	vst v63  }
0x52: {  	_ =	swait.ge [sflag:s3], $0x1000  }
0x53: {  	[sflag:s3] =	ssyncset.done $0x0  }
0x54: {  	s19 =	rddreg [dreg:$0xd];
	[sflag:s3] =	ssyncadd.s32 $0xFFFFF000  }
0x55: {  	[spmem:s19] =	stream.linear.scatter [tilespmem:s0], [sflag:$0x6], $0x1000, $0x38;
	[tilespmem:$0x1F800] =	vst v63  }
0x56: {  	_ =	swait.ge [sflag:s3], $0x1000  }
0x57: {  	[sflag:s3] =	ssyncset.done $0x0  }
0x58: {  	s18 =	rddreg [dreg:$0xe];
	[sflag:s3] =	ssyncadd.s32 $0xFFFFF000  }
0x59: {  	[spmem:s18] =	stream.linear.scatter [tilespmem:s0], [sflag:$0x6], $0x1000, $0x38;
	[tilespmem:$0x1F800] =	vst v63  }
0x5a: {  	_ =	swait.ge [sflag:s3], $0x1000  }
0x5b: {  	[sflag:s3] =	ssyncset.done $0x0  }
0x5c: {  	s19 =	rddreg [dreg:$0xf];
	[sflag:s3] =	ssyncadd.s32 $0xFFFFF000  }
0x5d: {  	[spmem:s19] =	stream.linear.scatter [tilespmem:s0], [sflag:$0x6], $0x1000, $0x38;
	[tilespmem:$0x1F800] =	vst v63  }
0x5e: {  	_ =	swait.ge [sflag:s3], $0x1000  }
0x5f: {  	[sflag:s3] =	ssyncset.done $0x0  }
0x60: {  	[sflag:s3] =	ssyncadd.s32 $0xFFFFF000  }
0x61: {  	[spmem:s23] =	stream.linear.scatter [tilespmem:s0], [sflag:$0x6], $0x1000, $0x38;
	[tilespmem:$0x1F800] =	vst v63  }
0x62: {  	_ =	swait.ge [sflag:s3], $0x1000  }
0x63: {  	[sflag:s3] =	ssyncset.done $0x0  }
0x64: {  	[sflag:s3] =	ssyncadd.s32 $0xFFFFF000  }
0x65: {  	[spmem:s25] =	stream.linear.scatter [tilespmem:s0], [sflag:$0x6], $0x1000, $0x38;
	[tilespmem:$0x1F800] =	vst v63  }
0x66: {  	_ =	swait.ge [sflag:s3], $0x1000  }
0x67: {  	[sflag:s3] =	ssyncset.done $0x0  }
0x68: {  	[sflag:s3] =	ssyncadd.s32 $0xFFFFF000  }
0x69: {  	[spmem:s26] =	stream.linear.scatter [tilespmem:s0], [sflag:$0x6], $0x1000, $0x38;
	[tilespmem:$0x1F800] =	vst v63  }
0x6a: {  	_ =	swait.ge [sflag:s3], $0x1000  }
0x6b: {  	[sflag:s3] =	ssyncset.done $0x0  }
0x6c: {  	[sflag:s3] =	ssyncadd.s32 $0xFFFFF000  }
0x6d: {  	[spmem:s28] =	stream.linear.scatter [tilespmem:s0], [sflag:$0x6], $0x1000, $0x38;
	[tilespmem:$0x1F800] =	vst v63  }
0x6e: {  	_ =	swait.ge [sflag:s3], $0x1000  }
0x6f: {  	[sflag:s3] =	ssyncset.done $0x0  }
0x70: {  	[sflag:s3] =	ssyncadd.s32 $0xFFFFF000  }
0x71: {  	[spmem:s29] =	stream.linear.scatter [tilespmem:s0], [sflag:$0x6], $0x1000, $0x38;
	[tilespmem:$0x1F800] =	vst v63  }
0x72: {  	_ =	swait.ge [sflag:s3], $0x1000  }
0x73: {  	[sflag:s3] =	ssyncset.done $0x0  }
0x74: {  	[sflag:s3] =	ssyncadd.s32 $0xFFFFF000  }
0x75: {  	[spmem:s30] =	stream.linear.scatter [tilespmem:s0], [sflag:$0x6], $0x1000, $0x38;
	[tilespmem:$0x1F800] =	vst v63  }
0x76: {  	_ =	swait.ge [sflag:s3], $0x1000  }
0x77: {  	[sflag:s3] =	ssyncset.done $0x0  }
0x78: {  	[sflag:s3] =	ssyncadd.s32 $0xFFFFF000  }
0x79: {  	[spmem:s31] =	stream.linear.scatter [tilespmem:s0], [sflag:$0x6], $0x1000, $0x38;
	[tilespmem:$0x1F800] =	vst v63  }
0x7a: {  	_ =	swait.ge [sflag:s3], $0x1000  }
0x7b: {  	[sflag:s3] =	ssyncset.done $0x0  }
0x7c: {  	[sflag:s3] =	ssyncadd.s32 $0xFFFFF000  }
0x7d: {  	[bflag:$0x0] =	sbarrier.arrive $0xFFFF  }
0x7e: {  	s18 =	rddreg [dreg:$0x10]  }
0x7f: {  	[tilespmem:s2], [sflag:$0x1] =	stream.linear.gather [hbm4b:s18+s2], $0x1400, $0x38;
	[tilespmem:$0x1F800] =	vst v63  }
0x80: {  	_ = 	snop  }
0x81: {  	[tilespmem:s6], [sflag:$0x3] =	stream.linear.gather [hbm4b:s20+s2], $0x1400, $0x38;
	[tilespmem:$0x1F800] =	vst v63  }
0x82: {  	_ =	swait.ge [sflag:s7], $0x1400  }
0x83: {  	[sflag:s7] =	ssyncset.done $0x0  }
0x84: {  	[sflag:s7] =	ssyncadd.s32 $0xFFFFEC00  }
0x85: {  	_ =	swait.ge [sflag:s8], $0x1400  }
0x86: {  	[sflag:s8] =	ssyncset.done $0x0  }
0x87: {  	[sflag:s8] =	ssyncadd.s32 $0xFFFFEC00  }
0x88: {  	[tilespmem:s10], [sflag:$0x3] =	stream.indirect.gather [hbm4b:s4+s9], $0x80, s2, s9, $0xb8;
	[tilespmem:$0x1F800] =	vst v63  }
0x89: {  	_ = 	snop  }
0x8a: {  	[tilespmem:s11], [sflag:$0x4] =	stream.indirect.gather [hbm4b:s4+s9], $0x80, s9, s9, $0xb8;
	[tilespmem:$0x1F800] =	vst v63  }
0x8b: {  	_ =	swait.ge [sflag:s8], $0x4000  }
0x8c: {  	[sflag:s8] =	ssyncset.done $0x0  }
0x8d: {  	[sflag:s8] =	ssyncadd.s32 $0xFFFFC000  }
0x8e: {  	[spmem:s1] =	stream.indirect.scatter.add.f32 [tilespmem:s10], [sflag:$0x2], $0x80, s6, s9, $0xb8;
	[tilespmem:$0x1F800] =	vst v63  }
0x8f: {  	_ =	swait.ge [sflag:s12], $0x4000  }
0x90: {  	[sflag:s12] =	ssyncset.done $0x0  }
0x91: {  	s19 =	simm.s32 $0x100;
	[sflag:s12] =	ssyncadd.s32 $0xFFFFC000  }
0x92: {  	[tilespmem:s10], [sflag:$0x3] =	stream.indirect.gather [hbm4b:s4+s9], $0x80, s19, s9, $0xb8;
	[tilespmem:$0x1F800] =	vst v63  }
0x93: {  	_ =	swait.ge [sflag:s13], $0x4000  }
0x94: {  	[sflag:s13] =	ssyncset.done $0x0  }
0x95: {  	s18 =	simm.s32 $0x1480;
	[sflag:s13] =	ssyncadd.s32 $0xFFFFC000  }
0x96: {  	[spmem:s1] =	stream.indirect.scatter.add.f32 [tilespmem:s11], [sflag:$0x5], $0x80, s18, s9, $0xb8;
	[tilespmem:$0x1F800] =	vst v63  }
0x97: {  	_ =	swait.ge [sflag:s14], $0x4000  }
0x98: {  	[sflag:s14] =	ssyncset.done $0x0  }
0x99: {  	s19 =	simm.s32 $0x180;
	[sflag:s14] =	ssyncadd.s32 $0xFFFFC000  }
0x9a: {  	[tilespmem:s11], [sflag:$0x4] =	stream.indirect.gather [hbm4b:s4+s9], $0x80, s19, s9, $0xb8;
	[tilespmem:$0x1F800] =	vst v63  }
0x9b: {  	_ =	swait.ge [sflag:s8], $0x4000  }
0x9c: {  	[sflag:s8] =	ssyncset.done $0x0  }
0x9d: {  	s17 =	simm.s32 $0xFFFFB800;
	s18 =	simm.s32 $0x1500;
	[sflag:s8] =	ssyncadd.s32 $0xFFFFC000  }
.LBB2_4:
0x9e: {  	[spmem:s1] =	stream.indirect.scatter.add.f32 [tilespmem:s10], [sflag:$0x2], $0x80, s18, s9, $0xb8;
	[tilespmem:$0x1F800] =	vst v63  }
0x9f: {  	s18 =	smov.u32 s17  }
0xa0: {  	p0 =	sne.s32 s17, $0xFFFFFC00;
	s17 =	sadd.s32 $0x400, s17;
	_ =	swait.ge [sflag:s12], $0x4000  }
0xa1: {  	s18 =	sshra.s32 s18, $0x2;
	[sflag:s12] =	ssyncset.done $0x0  }
0xa2: {  	s19 =	sadd.s32 $0x1400, s18;
	[sflag:s12] =	ssyncadd.s32 $0xFFFFC000  }
0xa3: {  	[tilespmem:s10], [sflag:$0x3] =	stream.indirect.gather [hbm4b:s4+s9], $0x80, s19, s9, $0xb8;
	[tilespmem:$0x1F800] =	vst v63  }
0xa4: {  	_ =	swait.ge [sflag:s13], $0x4000  }
0xa5: {  	[sflag:s13] =	ssyncset.done $0x0  }
0xa6: {  	s19 =	sadd.s32 $0x2780, s18;
	[sflag:s13] =	ssyncadd.s32 $0xFFFFC000  }
0xa7: {  	[spmem:s1] =	stream.indirect.scatter.add.f32 [tilespmem:s11], [sflag:$0x5], $0x80, s19, s9, $0xb8;
	[tilespmem:$0x1F800] =	vst v63  }
0xa8: {  	_ =	swait.ge [sflag:s14], $0x4000  }
0xa9: {  	[sflag:s14] =	ssyncset.done $0x0  }
.Ltmp1:
0xaa: {  	s19 =	sadd.s32 $0x1480, s18;
	[sflag:s14] =	ssyncadd.s32 $0xFFFFC000;
	(pc) =	sbr.rel @p0 .LBB2_4-.Ltmp1, $4  }
0xab: {  	[tilespmem:s11], [sflag:$0x4] =	stream.indirect.gather [hbm4b:s4+s9], $0x80, s19, s9, $0xb8;
	[tilespmem:$0x1F800] =	vst v63  }
0xac: {  	_ =	swait.ge [sflag:s8], $0x4000  }
0xad: {  	[sflag:s8] =	ssyncset.done $0x0  }
0xae: {  	s18 =	sadd.s32 $0x2800, s18;
	[sflag:s8] =	ssyncadd.s32 $0xFFFFC000  }
0xaf: {  	[spmem:s1] =	stream.indirect.scatter.add.f32 [tilespmem:s10], [sflag:$0x2], $0x80, s18, s9, $0xb8;
	[tilespmem:$0x1F800] =	vst v63  }
0xb0: {  	_ =	swait.ge [sflag:s12], $0x4000  }
0xb1: {  	[sflag:s12] =	ssyncset.done $0x0  }
0xb2: {  	[sflag:s12] =	ssyncadd.s32 $0xFFFFC000  }
0xb3: {  	_ =	swait.ge [sflag:s13], $0x4000  }
0xb4: {  	[sflag:s13] =	ssyncset.done $0x0  }
0xb5: {  	[sflag:s13] =	ssyncadd.s32 $0xFFFFC000  }
0xb6: {  	[spmem:s1] =	stream.indirect.scatter.add.f32 [tilespmem:s11], [sflag:$0x5], $0x80, s15, s9, $0xb8;
	[tilespmem:$0x1F800] =	vst v63  }
0xb7: {  	_ =	swait.ge [sflag:s14], $0x4000  }
0xb8: {  	[sflag:s14] =	ssyncset.done $0x0  }
0xb9: {  	[sflag:s14] =	ssyncadd.s32 $0xFFFFC000  }
0xba: {  	[tilespmem:s2], [sflag:$0x1] =	stream.linear.gather [hbm4b:s21+s2], $0x1400, $0x38;
	[tilespmem:$0x1F800] =	vst v63  }
0xbb: {  	_ = 	snop  }
0xbc: {  	[tilespmem:s6], [sflag:$0x3] =	stream.linear.gather [hbm4b:s22+s2], $0x1400, $0x38;
	[tilespmem:$0x1F800] =	vst v63  }
0xbd: {  	_ =	swait.ge [sflag:s7], $0x1400  }
0xbe: {  	[sflag:s7] =	ssyncset.done $0x0  }
0xbf: {  	[sflag:s7] =	ssyncadd.s32 $0xFFFFEC00  }
0xc0: {  	_ =	swait.ge [sflag:s8], $0x1400  }
0xc1: {  	[sflag:s8] =	ssyncset.done $0x0  }
0xc2: {  	[sflag:s8] =	ssyncadd.s32 $0xFFFFEC00  }
0xc3: {  	[tilespmem:s10], [sflag:$0x3] =	stream.indirect.gather [hbm4b:s4+s9], $0x80, s2, s9, $0xb8;
	[tilespmem:$0x1F800] =	vst v63  }
0xc4: {  	_ = 	snop  }
0xc5: {  	[tilespmem:s11], [sflag:$0x4] =	stream.indirect.gather [hbm4b:s4+s9], $0x80, s9, s9, $0xb8;
	[tilespmem:$0x1F800] =	vst v63  }
0xc6: {  	_ =	swait.ge [sflag:s8], $0x4000  }
0xc7: {  	[sflag:s8] =	ssyncset.done $0x0  }
0xc8: {  	[sflag:s8] =	ssyncadd.s32 $0xFFFFC000  }
0xc9: {  	[spmem:s1] =	stream.indirect.scatter.add.f32 [tilespmem:s10], [sflag:$0x2], $0x80, s6, s9, $0xb8;
	[tilespmem:$0x1F800] =	vst v63  }
0xca: {  	_ =	swait.ge [sflag:s12], $0x4000  }
0xcb: {  	[sflag:s12] =	ssyncset.done $0x0  }
0xcc: {  	s17 =	simm.s32 $0x100;
	[sflag:s12] =	ssyncadd.s32 $0xFFFFC000  }
0xcd: {  	[tilespmem:s10], [sflag:$0x3] =	stream.indirect.gather [hbm4b:s4+s9], $0x80, s17, s9, $0xb8;
	[tilespmem:$0x1F800] =	vst v63  }
0xce: {  	_ =	swait.ge [sflag:s13], $0x4000  }
0xcf: {  	[sflag:s13] =	ssyncset.done $0x0  }
0xd0: {  	s18 =	simm.s32 $0x1480;
	[sflag:s13] =	ssyncadd.s32 $0xFFFFC000  }
0xd1: {  	[spmem:s1] =	stream.indirect.scatter.add.f32 [tilespmem:s11], [sflag:$0x5], $0x80, s18, s9, $0xb8;
	[tilespmem:$0x1F800] =	vst v63  }
0xd2: {  	_ =	swait.ge [sflag:s14], $0x4000  }
0xd3: {  	[sflag:s14] =	ssyncset.done $0x0  }
0xd4: {  	s19 =	simm.s32 $0x180;
	[sflag:s14] =	ssyncadd.s32 $0xFFFFC000  }
0xd5: {  	[tilespmem:s11], [sflag:$0x4] =	stream.indirect.gather [hbm4b:s4+s9], $0x80, s19, s9, $0xb8;
	[tilespmem:$0x1F800] =	vst v63  }
0xd6: {  	_ =	swait.ge [sflag:s8], $0x4000  }
0xd7: {  	[sflag:s8] =	ssyncset.done $0x0  }
0xd8: {  	s17 =	simm.s32 $0xFFFFB800;
	s18 =	simm.s32 $0x1500;
	[sflag:s8] =	ssyncadd.s32 $0xFFFFC000  }
.LBB2_6:
0xd9: {  	[spmem:s1] =	stream.indirect.scatter.add.f32 [tilespmem:s10], [sflag:$0x2], $0x80, s18, s9, $0xb8;
	[tilespmem:$0x1F800] =	vst v63  }
0xda: {  	s18 =	smov.u32 s17  }
0xdb: {  	p0 =	sne.s32 s17, $0xFFFFFC00;
	s17 =	sadd.s32 $0x400, s17;
	_ =	swait.ge [sflag:s12], $0x4000  }
0xdc: {  	s18 =	sshra.s32 s18, $0x2;
	[sflag:s12] =	ssyncset.done $0x0  }
0xdd: {  	s19 =	sadd.s32 $0x1400, s18;
	[sflag:s12] =	ssyncadd.s32 $0xFFFFC000  }
0xde: {  	[tilespmem:s10], [sflag:$0x3] =	stream.indirect.gather [hbm4b:s4+s9], $0x80, s19, s9, $0xb8;
	[tilespmem:$0x1F800] =	vst v63  }
0xdf: {  	_ =	swait.ge [sflag:s13], $0x4000  }
0xe0: {  	[sflag:s13] =	ssyncset.done $0x0  }
0xe1: {  	s19 =	sadd.s32 $0x2780, s18;
	[sflag:s13] =	ssyncadd.s32 $0xFFFFC000  }
0xe2: {  	[spmem:s1] =	stream.indirect.scatter.add.f32 [tilespmem:s11], [sflag:$0x5], $0x80, s19, s9, $0xb8;
	[tilespmem:$0x1F800] =	vst v63  }
0xe3: {  	_ =	swait.ge [sflag:s14], $0x4000  }
0xe4: {  	[sflag:s14] =	ssyncset.done $0x0  }
.Ltmp2:
0xe5: {  	s19 =	sadd.s32 $0x1480, s18;
	[sflag:s14] =	ssyncadd.s32 $0xFFFFC000;
	(pc) =	sbr.rel @p0 .LBB2_6-.Ltmp2, $4  }
0xe6: {  	[tilespmem:s11], [sflag:$0x4] =	stream.indirect.gather [hbm4b:s4+s9], $0x80, s19, s9, $0xb8;
	[tilespmem:$0x1F800] =	vst v63  }
0xe7: {  	_ =	swait.ge [sflag:s8], $0x4000  }
0xe8: {  	[sflag:s8] =	ssyncset.done $0x0  }
0xe9: {  	s18 =	sadd.s32 $0x2800, s18;
	[sflag:s8] =	ssyncadd.s32 $0xFFFFC000  }
0xea: {  	[spmem:s1] =	stream.indirect.scatter.add.f32 [tilespmem:s10], [sflag:$0x2], $0x80, s18, s9, $0xb8;
	[tilespmem:$0x1F800] =	vst v63  }
0xeb: {  	_ =	swait.ge [sflag:s12], $0x4000  }
0xec: {  	[sflag:s12] =	ssyncset.done $0x0  }
0xed: {  	[sflag:s12] =	ssyncadd.s32 $0xFFFFC000  }
0xee: {  	_ =	swait.ge [sflag:s13], $0x4000  }
0xef: {  	[sflag:s13] =	ssyncset.done $0x0  }
0xf0: {  	[sflag:s13] =	ssyncadd.s32 $0xFFFFC000  }
0xf1: {  	[spmem:s1] =	stream.indirect.scatter.add.f32 [tilespmem:s11], [sflag:$0x5], $0x80, s15, s9, $0xb8;
	[tilespmem:$0x1F800] =	vst v63  }
0xf2: {  	_ =	swait.ge [sflag:s14], $0x4000  }
0xf3: {  	s17 =	stileid.u32;
	[sflag:s14] =	ssyncset.done $0x0  }
0xf4: {  	s17 =	sshll.u32 s17, $0x6;
	[sflag:s14] =	ssyncadd.s32 $0xFFFFC000  }
0xf5: {  	s19 =	sshrl.u32 s5, $0x3;
	s17 =	sor.u32 $0x1C06, s17;
	[bflag:$0x0] =	sbarrier.arrive $0xFFFF  }
0xf6: {  	[hbm:s24], [sflag:s17] =	dma.local [spmem:s19], $0x2800  }
0xf7: {  	_ =	swait.ge [sflag:s3], $0x2800  }
0xf8: {  	s16 =	sadd.s32 $0x1, s16;
	s19 =	rddreg [dreg:$0x3]  }
0xf9: {  	p0 =	sne.s32 s16, s19  }
.Ltmp3:
0xfa: {  	_ = 	snop;
	(pc) =	sbr.rel @p0 .LBB2_1-.Ltmp3, $3  }
0xfb: {  	_ =	sdelay $0x1  }
0xfc: {  	[sflag:s3] =	ssyncset.done $0x0  }
0xfd: {  	[sflag:s3] =	ssyncadd.s32 $0xFFFFD800  }
0xfe: {  	_ =	sfence.sel $0x180000  }
0xff: {  	[bflag:$0x0] =	sbarrier.arrive $0xFFFF  }
0x100: {  	_ =	strace $0x9000004A  }
0x101: {  	s0 =	stileid.u32;
	[bflag:$0x2] =	sbarrier.arrive $0xFFFF  }
0x102: {  	p0 =	sne.s32 s0, $0x0;
	s0 =	rddreg [dreg:$0x2]  }
0x103: {  	s0 =	sadd.s32 @!p0 $0x100000, s0  }
0x104: {  	[sflag:s0] =	ssyncadd.tile.s32 @!p0 $0x1;
	_ =	shalt  }
.Lfunc_end2:
_tile_overlayer_lowered:
.L_overlay_start_2:
0x105: {  	(tag) =	ssettag $0x2  }
0x106: {  	s0 =	rddreg [dreg:$0x0];
	s2 =	stileid.u32  }
0x107: {  	s1 =	rddreg [dreg:$0x1];
	p0 =	sne.s32 s2, $0x0  }
0x108: {  	s3 =	rddreg [dreg:$0x2];
	[bflag:$0x3] =	sbarrier.arrive $0xFFFF;
	s2 =	simm.s32 @!p0 $0x1C06  }
0x109: {  	[timem:s3], [sflag:s2] =	dma.local @!p0 [hbm:s0], s1  }
0x10a: {  	s0 =	simm.s32 @!p0 $0x6  }
0x10b: {  	_ =	swait.ge @!p0 [sflag:s0], s1  }
0x10c: {  	s1 =	ssub.s32 @!p0 $0x0, s1;
	[sflag:s0] =	ssyncset.done @!p0 $0x0  }
0x10d: {  	[sflag:s0] =	ssyncadd.s32 @!p0 s1  }
0x10e: {  	[bflag:$0x3] =	sbarrier.arrive $0xFFFF  }
0x10f: {  	_ =	shalt  }

// kernel: kernel.14.cloned.1.call-start
scs
__scs_entry_jumppad:
0x0: {  	(pc) =	sbr.rel $0x88, $3  }
0x1: {  	(tag) =	ssettag $0x0;
	lr =	simm.s32 $0x1  }
0x2: {  	[smem:$0x3F99] =	sst lr;
	_ =	strace $0xD0000000  }
0x3: {  	_ = 	snop  }
0x4: {  	_ = 	snop  }
0x5: {  	_ = 	snop  }
0x6: {  	_ = 	snop  }
0x7: {  	_ = 	snop  }
__scs_overlays_trampoline_lowered:
0x8: {  	[smem:$0x3FA8] =	sst s0  }
0x9: {  	[smem:$0x3FA9] =	sst s1  }
0xa: {  	[smem:$0x3FAA] =	sst s2  }
0xb: {  	[smem:$0x3FAB] =	sst s3  }
0xc: {  	[smem:$0x3FAC] =	sst s4  }
0xd: {  	[smem:$0x3FAD] =	sst s5  }
0xe: {  	[smem:$0x3FAE] =	sst s6  }
0xf: {  	[smem:$0x3FAF] =	sst s7  }
0x10: {  	[smem:$0x3FB0] =	sst s8  }
0x11: {  	[smem:$0x3FB1] =	sst s9;
	s0 =	simm.s32 @!p0 $0x0  }
0x12: {  	s1 =	sld [smem:$0x3F97];
	s0 =	simm.s32 @p0 $0x1  }
0x13: {  	[smem:$0x3FB2] =	sst s0;
	s0 =	simm.s32 @!p1 $0x0  }
0x14: {  	s2 =	sld [smem:$0x3F96];
	s0 =	simm.s32 @p1 $0x1  }
0x15: {  	[smem:$0x3FB3] =	sst s0;
	s0 =	simm.s32 @!p2 $0x0  }
0x16: {  	s3 =	sld [smem:$0x3FDB];
	s0 =	simm.s32 @p2 $0x1  }
0x17: {  	s4 =	simm.s32 $0x1BF5;
	[smem:$0x3FB5] =	sst s0  }
0x18: {  	s0 =	sld [smem:$0x3F98];
	_ =	swait.ge [sflag:s4], $0x0  }
0x19: {  	s7 =	sld [smem:$0x3F99]  }
0x1a: {  	s8 =	sadd.s32 $0xFFFFE003, lr  }
0x1b: {  	s9 =	sadd.s32 $0xFFFFFEF7, lr;
	s5 =	simm.s32 $0xFFFFFFFF;
	p2 =	slt.u32 s8, $0xFFFFF086  }
0x1c: {  	p1 =	slt.u32 s9, $0xF7A;
	s5 =	simm.s32 @!p2 $0x0  }
0x1d: {  	s5 =	simm.s32 @p1 $0x1;
	p0 =	seq.s32 s7, s2  }
0x1e: {  	s7 =	smul.u32 @!p0 $0xF7A, s2;
	p2 =	seq.s32 @!p0 s5, $0x0  }
0x1f: {  	s9 =	smul.u32 $0xF7A, s1;
	s8 =	simm.s32 @!p0 $0x1BF5;
	p2 =	por !p2, p0  }
0x20: {  	[sflag:s8] =	ssyncset.s32 @!p0 $0xFFFFF086;
	s6 =	sadd.s32 @!p0 s3, s7;
	s7 =	simm.s32 @!p0 $0x108  }
0x21: {  	s3 =	sadd.s32 s3, s9;
	s6 =	sadd.s32 @!p0 $0x88, s6;
	s7 =	simm.s32 @p2 $0x1082  }
0x22: {  	[simem:s7], [sflag:s8] =	dma.local @!p0 [hbm:s6], $0xF7A  }
0x23: {  	s9 =	sor.u32 $0xD0000000, s2;
	s6 =	simm.s32 $0x108;
	_ =	swait.ge @!p0 [sflag:s8], $0x0  }
0x24: {  	s3 =	sadd.s32 $0x88, s3;
	s6 =	simm.s32 @!p1 $0x1082;
	[sflag:s4] =	ssyncset.s32 $0xFFFFF086  }
0x25: {  	[simem:s6], [sflag:s4] =	dma.local [hbm:s3], $0xF7A  }
0x26: {  	[smem:$0x3F99] =	sst s1;
	(tag) =	ssettag s2;
	_ =	strace s9  }
0x27: {  	s1 =	sld [smem:$0x3FA9]  }
0x28: {  	s2 =	sld [smem:$0x3FAA]  }
0x29: {  	s4 =	sld [smem:$0x3FAC]  }
0x2a: {  	p0 =	seq.s32 s5, $0x0;
	s5 =	sld [smem:$0x3FAD]  }
0x2b: {  	s6 =	sld [smem:$0x3FAE]  }
0x2c: {  	s7 =	sld [smem:$0x3FAF]  }
0x2d: {  	s3 =	simm.s32 $0x108;
	s8 =	sld [smem:$0x3FB0]  }
0x2e: {  	s3 =	simm.s32 @!p0 $0x1082;
	s9 =	sld [smem:$0x3FB1]  }
0x2f: {  	lr =	sadd.s32 s0, s3;
	s0 =	sld [smem:$0x3FA8]  }
0x30: {  	s3 =	sld [smem:$0x3FAB]  }
0x31: {  	[smem:$0x3FB4] =	sst s10  }
0x32: {  	s10 =	sld [smem:$0x3FB2];
	_ =	sdelay $0x3  }
0x33: {  	p0 =	seq.s32 s10, $0x1;
	s10 =	sld [smem:$0x3FB4];
	_ =	sdelay $0x3  }
0x34: {  	[smem:$0x3FB4] =	sst s10  }
0x35: {  	s10 =	sld [smem:$0x3FB3];
	_ =	sdelay $0x3  }
0x36: {  	p1 =	seq.s32 s10, $0x1;
	s10 =	sld [smem:$0x3FB4];
	_ =	sdelay $0x3  }
0x37: {  	[smem:$0x3FB4] =	sst s10  }
0x38: {  	s10 =	sld [smem:$0x3FB5]  }
0x39: {  	_ = 	snop;
	(pc) =	sbr.ind lr, $3  }
0x3a: {  	_ = 	snop  }
0x3b: {  	_ = 	snop  }
0x3c: {  	p2 =	seq.s32 s10, $0x1;
	s10 =	sld [smem:$0x3FB4]  }
0x3d: {  	_ =	shalt  }
0x3e: {  	_ =	shalt  }
0x3f: {  	_ =	shalt  }
0x40: {  	_ =	shalt  }
0x41: {  	_ =	shalt  }
0x42: {  	_ =	shalt  }
0x43: {  	_ =	shalt  }
0x44: {  	_ =	shalt  }
0x45: {  	_ =	shalt  }
0x46: {  	_ =	shalt  }
0x47: {  	_ =	shalt  }
0x48: {  	_ =	shalt  }
0x49: {  	_ =	shalt  }
0x4a: {  	_ =	shalt  }
0x4b: {  	_ =	shalt  }
0x4c: {  	_ =	shalt  }
0x4d: {  	_ =	shalt  }
0x4e: {  	_ =	shalt  }
0x4f: {  	_ =	shalt  }
0x50: {  	_ =	shalt  }
0x51: {  	_ =	shalt  }
0x52: {  	_ =	shalt  }
0x53: {  	_ =	shalt  }
0x54: {  	_ =	shalt  }
0x55: {  	_ =	shalt  }
0x56: {  	_ =	shalt  }
0x57: {  	_ =	shalt  }
0x58: {  	_ =	shalt  }
0x59: {  	_ =	shalt  }
0x5a: {  	_ =	shalt  }
0x5b: {  	_ =	shalt  }
0x5c: {  	_ =	shalt  }
0x5d: {  	_ =	shalt  }
0x5e: {  	_ =	shalt  }
0x5f: {  	_ =	shalt  }
0x60: {  	_ =	shalt  }
0x61: {  	_ =	shalt  }
0x62: {  	_ =	shalt  }
0x63: {  	_ =	shalt  }
0x64: {  	_ =	shalt  }
0x65: {  	_ =	shalt  }
0x66: {  	_ =	shalt  }
0x67: {  	_ =	shalt  }
0x68: {  	_ =	shalt  }
0x69: {  	_ =	shalt  }
0x6a: {  	_ =	shalt  }
0x6b: {  	_ =	shalt  }
0x6c: {  	_ =	shalt  }
0x6d: {  	_ =	shalt  }
0x6e: {  	_ =	shalt  }
0x6f: {  	_ =	shalt  }
0x70: {  	_ =	shalt  }
0x71: {  	_ =	shalt  }
0x72: {  	_ =	shalt  }
0x73: {  	_ =	shalt  }
0x74: {  	_ =	shalt  }
0x75: {  	_ =	shalt  }
0x76: {  	_ =	shalt  }
0x77: {  	_ =	shalt  }
0x78: {  	_ =	shalt  }
0x79: {  	_ =	shalt  }
0x7a: {  	_ =	shalt  }
0x7b: {  	_ =	shalt  }
0x7c: {  	_ =	shalt  }
0x7d: {  	_ =	shalt  }
0x7e: {  	_ =	shalt  }
0x7f: {  	_ =	shalt  }
0x80: {  	_ =	shalt  }
0x81: {  	_ =	shalt  }
0x82: {  	_ =	shalt  }
0x83: {  	_ =	shalt  }
0x84: {  	_ =	shalt  }
0x85: {  	_ =	shalt  }
0x86: {  	_ =	shalt  }
0x87: {  	_ =	shalt  }
.Lfunc_end0:
.L_simem_size_0:
called_computation.2_lowered:
.L_overlay_start_0:
0x88: {  	s2 =	sld [smem:$0x3FD9]  }
0x89: {  	s3 =	sld [smem:$0x3FFE];
	_ =	sdelay $0x1  }
0x8a: {  	s1 =	srdreg.scid  }
0x8b: {  	s0 =	sand.u32 $0x1, s1  }
0x8c: {  	s16 =	sshll.u32 s0, $0xA;
	s2 =	sadd.s32 s3, s2  }
0x8d: {  	s2 =	sadd.s32 s2, s16  }
0x8e: {  	[smem:$0x3FC0] =	sst s2  }
0x8f: {  	_ = 	snop  }
0x90: {  	(tm) =	ssettm $0x1  }
0x91: {  	s17 =	sld [smem:$0x3FFB];
	_ =	sdelay $0x3  }
0x92: {  	_ =	strace s17  }
0x93: {  	s2 =	sld [smem:$0x3FFC];
	_ =	sdelay $0x3  }
0x94: {  	_ =	strace s2  }
0x95: {  	s2 =	sld [smem:$0x3FFD];
	_ =	sdelay $0x3  }
0x96: {  	_ =	strace s2  }
0x97: {  	_ =	strace $0x8FFFFFFF  }
0x98: {  	s18 =	sld [smem:$0x3FDB];
	_ =	sdelay $0x1  }
0x99: {  	s19 =	simm.s32 $_scs_section_size  }
0x9a: {  	s4 =	simm.s32 $_size__tile_overlayer_lowered;
	s5 =	simm.s32 $_tile_overlayer_lowered  }
0x9b: {  	s22 =	simm.s32 $0x1BFF;
	s21 =	sshll.u32 s5, $0x1;
	s2 =	sadd.s32 s19, s18  }
0x9c: {  	s6 =	simm.s32 $0x0;
	s20 =	sshll.u32 s4, $0x1;
	s4 =	sadd.s32 s21, s2  }
0x9d: {  	[timem:s6], [sflag:s22] =	dma.local [hbm:s4], s20  }
0x9e: {  	_ =	swait.ge [sflag:s22], s20  }
0x9f: {  	s3 =	ssub.s32 $0x0, s20;
	[sflag:s22] =	ssyncset.done $0x0  }
0xa0: {  	[sflag:s22] =	ssyncadd.s32 s3;
	_ =	sdelay $0x1  }
0xa1: {  	s23 =	simm.s32 $0x1B8B  }
0xa2: {  	_ =	swait.ge [sflag:s23], $0x1  }
0xa3: {  	[sflag:s23] =	ssyncset.done $0x0  }
0xa4: {  	s25 =	simm.s32 $0x1B8E;
	s24 =	sld [smem:$0x3FFE];
	[sflag:s23] =	ssyncadd.s32 $0xFFFFFFFF  }
0xa5: {  	s26 =	simm.s32 $execute0_lowered;
	[smem:$0x3FD2] =	sst s25  }
0xa6: {  	s4 =	sshll.u32 s26, $0x1;
	_ =	strace $0x8000004C;
	[dreg:$0x1] =	wrdreg $0xFFFFFFFF  }
0xa7: {  	s28 =	simm.s32 $_size_execute0_lowered;
	s2 =	sadd.s32 s2, s4;
	[dreg:$0x0] =	wrdreg $0x0  }
0xa8: {  	s4 =	sshll.u32 s28, $0x1;
	[dreg:$0x2] =	wrdreg s2  }
0xa9: {  	[dreg:$0x3] =	wrdreg s4  }
0xaa: {  	[dreg:$0x4] =	wrdreg $0xC0  }
0xab: {  	_ =	task [dreg:s6], $0x5FFFF  }
0xac: {  	[dreg:$0x1] =	wrdreg $0xFFFFFFFF  }
0xad: {  	[dreg:$0x0] =	wrdreg $0x60  }
0xae: {  	[dreg:$0x2] =	wrdreg s24  }
0xaf: {  	[dreg:$0x3] =	wrdreg $0xB0000  }
0xb0: {  	[dreg:$0x4] =	wrdreg $0x9  }
0xb1: {  	_ =	task.clear_ibuf [dreg:s6], $0x5FFFF;
	_ =	strace $0x9000004C  }
0xb2: {  	s29 =	simm.s32 $0x9;
	_ =	strace $0x8000004E  }
0xb3: {  	_ =	swait.ge [sflag:s29], $0x1  }
0xb4: {  	[sflag:s29] =	ssyncadd.s32 $0xFFFFFFFF  }
0xb5: {  	_ =	strace $0x9000004E  }
0xb6: {  	_ =	sfence  }
0xb7: {  	s30 =	sld [smem:$0x0];
	_ =	sdelay $0x2  }
0xb8: {  	s31 =	sshll.u32 s1, $0xD;
	s1 =	sshrl.u32 s1, $0x2  }
0xb9: {  	s3 =	sand.u32 $0x4000, s31;
	s1 =	sadd.s32 s1, s30  }
0xba: {  	s0 =	sor.u32 s3, s0;
	s1 =	sshll.u32 s1, $0x11  }
0xbb: {  	s0 =	sor.u32 s1, s0  }
0xbc: {  	s0 =	sadd.s32 $0x8F2B, s0  }
0xbd: {  	[sflag:s0] =	ssyncadd.remote.s32 $0x1  }
0xbe: {  	_ =	sfence.sel $0xFFFF  }
0xbf: {  	[dreg:$0x0] =	wrdreg $0xFFFFFFFF;
	(pc) =	sbr.abs _section_cstart, $3  }
0xc0: {  	[dreg:$0x1] =	wrdreg $0xFFFFFFFF  }
0xc1: {  	_ =	task.clear_ibuf [dreg:s6], $0x2FFFF;
	_ =	strace $0x9FFFFFFF  }
0xc2: {  	(tm) =	ssettm $0x7FFFFFFF  }
0xc3: {  	_ =	shalt  }
tec
execute0_lowered:
.L_overlay_start_1:
0x0: {  	(tag) =	ssettag $0x1  }
0x1: {  	s0 =	rddreg [dreg:$0x0]  }
0x2: {  	s3 =	srdreg.scid;
	s9 =	stileid.u32  }
0x3: {  	s1 =	rddreg [dreg:$0x1];
	s3 =	sand.u32 $0x1, s3;
	s7 =	smul.u32 $0x50000, s9  }
0x4: {  	s2 =	simm.s32 $0x0;
	s6 =	smul.u32 $0x28000, s3;
	s3 =	ssub.s32 $0x2, s3  }
0x5: {  	[smem:$0x7FF] =	sst s2;
	s4 =	sadd.s32 $0xCA00, s0;
	s8 =	sshrl.u32 s3, $0x1  }
0x6: {  	s5 =	sadd.s32 $0x2A00, s0;
	s13 =	sshrl.u32 s7, $0x2;
	s3 =	ssub.s32 s3, s8  }
0x7: {  	s0 =	sadd.s32 s6, s0;
	s6 =	sadd.s32 s13, s1;
	s3 =	smax.u32 s3, $0x1  }
0x8: {  	_ =	strace $0x8000004D;
	s14 =	sadd.s32 $0x1000, s6;
	[dreg:$0x3] =	wrdreg s3  }
0x9: {  	s15 =	sadd.s32 $0x2000, s6;
	[dreg:$0x4] =	wrdreg s14  }
0xa: {  	s16 =	sadd.s32 $0x3000, s6;
	[dreg:$0x5] =	wrdreg s15  }
0xb: {  	s31 =	simm.s32 $0xA000;
	s17 =	sadd.s32 $0x4000, s6;
	[dreg:$0x6] =	wrdreg s16  }
0xc: {  	s10 =	simm.s32 $0x3;
	s18 =	sadd.s32 $0x5000, s6;
	[dreg:$0x7] =	wrdreg s17  }
0xd: {  	s11 =	simm.s32 $0x80;
	s19 =	sadd.s32 $0x6000, s6;
	[dreg:$0x8] =	wrdreg s18  }
0xe: {  	s12 =	simm.s32 $0x2000;
	s20 =	sadd.s32 $0x7000, s6;
	[dreg:$0x9] =	wrdreg s19  }
0xf: {  	s7 =	smul.u32 $0x5000, s9;
	s21 =	sadd.s32 $0x8000, s6;
	[dreg:$0xa] =	wrdreg s20  }
0x10: {  	s9 =	smul.u32 $0x2800, s9;
	s22 =	sadd.s32 $0x9000, s6;
	[dreg:$0xb] =	wrdreg s21  }
0x11: {  	s13 =	simm.s32 $0x6000;
	s23 =	sadd.s32 $0xA000, s6;
	[dreg:$0xc] =	wrdreg s22  }
0x12: {  	s8 =	sadd.s32 $0x16A00, s0;
	s24 =	sadd.s32 $0xB000, s6;
	[dreg:$0xd] =	wrdreg s23  }
0x13: {  	s0 =	sadd.s32 $0x66A00, s0;
	s25 =	sadd.s32 $0xC000, s6;
	[dreg:$0xe] =	wrdreg s24  }
0x14: {  	s26 =	sadd.s32 $0xD000, s6;
	s28 =	sadd.s32 $0x11000, s6;
	[dreg:$0xf] =	wrdreg s25  }
0x15: {  	s29 =	sadd.s32 $0x12000, s6;
	s30 =	sadd.s32 $0x13000, s6;
	[dreg:$0x10] =	wrdreg s26  }
0x16: {  	s23 =	sadd.s32 $0xE000, s6;
	s24 =	sadd.s32 s9, s0;
	s25 =	sadd.s32 $0xF000, s6  }
0x17: {  	s26 =	sadd.s32 $0x10000, s6;
	s0 =	simm.s32 $0x6;
	s3 =	simm.s32 $0x1000  }
0x18: {  	s9 =	simm.s32 $0x1;
	s14 =	simm.s32 $0x2;
	s15 =	simm.s32 $0x4  }
0x19: {  	v0 =	vimm.f32 $0.0e+00;
	s16 =	simm.s32 $0x5;
	s17 =	simm.s32 $0x1F80;
	s18 =	simm.s32 $0x0  }
.LBB2_1:
0x1a: {  	s19 =	simm.s32 $0x0;
	s20 =	simm.s32 $0x200  }
.LBB2_2:
0x1b: {  	p0 =	sne.s32 s20, $0x3E00;
	[tilespmem:s19+$0xA070] =	vst v0  }
0x1c: {  	[tilespmem:s19+$0xA000] =	vst v0  }
0x1d: {  	[tilespmem:s19+$0xA010] =	vst v0  }
.Ltmp0:
0x1e: {  	[tilespmem:s19+$0xA020] =	vst v0;
	(pc) =	sbr.rel @p0 .LBB2_2-.Ltmp0, $4  }
0x1f: {  	[tilespmem:s19+$0xA030] =	vst v0  }
0x20: {  	[tilespmem:s19+$0xA040] =	vst v0  }
0x21: {  	[tilespmem:s19+$0xA050] =	vst v0  }
0x22: {  	[tilespmem:s19+$0xA060] =	vst v0;
	s19 =	sshra.s32 s20, $0x2;
	s20 =	sadd.s32 $0x200, s20  }
0x23: {  	[tilespmem:s19+$0xA070] =	vst v0  }
0x24: {  	[tilespmem:s19+$0xA000] =	vst v0  }
0x25: {  	[tilespmem:s19+$0xA010] =	vst v0  }
0x26: {  	[tilespmem:s19+$0xA020] =	vst v0  }
0x27: {  	[tilespmem:s19+$0xA030] =	vst v0  }
0x28: {  	[tilespmem:s19+$0xA040] =	vst v0  }
0x29: {  	[tilespmem:s19+$0xA050] =	vst v0  }
0x2a: {  	[tilespmem:s19+$0xA060] =	vst v0  }
0x2b: {  	[spmem:s6] =	stream.linear.scatter [tilespmem:s31], [sflag:$0x6], $0x1000, $0x38;
	[tilespmem:$0x1F000] =	vst v63  }
0x2c: {  	_ =	swait.ge [sflag:s0], $0x1000  }
0x2d: {  	[sflag:s0] =	ssyncset.done $0x0  }
0x2e: {  	s22 =	rddreg [dreg:$0x4];
	[sflag:s0] =	ssyncadd.s32 $0xFFFFF000  }
0x2f: {  	[spmem:s22] =	stream.linear.scatter [tilespmem:s31], [sflag:$0x6], $0x1000, $0x38;
	[tilespmem:$0x1F000] =	vst v63  }
0x30: {  	_ =	swait.ge [sflag:s0], $0x1000  }
0x31: {  	[sflag:s0] =	ssyncset.done $0x0  }
0x32: {  	s20 =	rddreg [dreg:$0x5];
	[sflag:s0] =	ssyncadd.s32 $0xFFFFF000  }
0x33: {  	[spmem:s20] =	stream.linear.scatter [tilespmem:s31], [sflag:$0x6], $0x1000, $0x38;
	[tilespmem:$0x1F000] =	vst v63  }
0x34: {  	_ =	swait.ge [sflag:s0], $0x1000  }
0x35: {  	[sflag:s0] =	ssyncset.done $0x0  }
0x36: {  	s21 =	rddreg [dreg:$0x6];
	[sflag:s0] =	ssyncadd.s32 $0xFFFFF000  }
0x37: {  	[spmem:s21] =	stream.linear.scatter [tilespmem:s31], [sflag:$0x6], $0x1000, $0x38;
	[tilespmem:$0x1F000] =	vst v63  }
0x38: {  	_ =	swait.ge [sflag:s0], $0x1000  }
0x39: {  	[sflag:s0] =	ssyncset.done $0x0  }
0x3a: {  	s22 =	rddreg [dreg:$0x7];
	[sflag:s0] =	ssyncadd.s32 $0xFFFFF000  }
0x3b: {  	[spmem:s22] =	stream.linear.scatter [tilespmem:s31], [sflag:$0x6], $0x1000, $0x38;
	[tilespmem:$0x1F000] =	vst v63  }
0x3c: {  	_ =	swait.ge [sflag:s0], $0x1000  }
0x3d: {  	[sflag:s0] =	ssyncset.done $0x0  }
0x3e: {  	s20 =	rddreg [dreg:$0x8];
	[sflag:s0] =	ssyncadd.s32 $0xFFFFF000  }
0x3f: {  	[spmem:s20] =	stream.linear.scatter [tilespmem:s31], [sflag:$0x6], $0x1000, $0x38;
	[tilespmem:$0x1F000] =	vst v63  }
0x40: {  	_ =	swait.ge [sflag:s0], $0x1000  }
0x41: {  	[sflag:s0] =	ssyncset.done $0x0  }
0x42: {  	s21 =	rddreg [dreg:$0x9];
	[sflag:s0] =	ssyncadd.s32 $0xFFFFF000  }
0x43: {  	[spmem:s21] =	stream.linear.scatter [tilespmem:s31], [sflag:$0x6], $0x1000, $0x38;
	[tilespmem:$0x1F000] =	vst v63  }
0x44: {  	_ =	swait.ge [sflag:s0], $0x1000  }
0x45: {  	[sflag:s0] =	ssyncset.done $0x0  }
0x46: {  	s22 =	rddreg [dreg:$0xa];
	[sflag:s0] =	ssyncadd.s32 $0xFFFFF000  }
0x47: {  	[spmem:s22] =	stream.linear.scatter [tilespmem:s31], [sflag:$0x6], $0x1000, $0x38;
	[tilespmem:$0x1F000] =	vst v63  }
0x48: {  	_ =	swait.ge [sflag:s0], $0x1000  }
0x49: {  	[sflag:s0] =	ssyncset.done $0x0  }
0x4a: {  	s20 =	rddreg [dreg:$0xb];
	[sflag:s0] =	ssyncadd.s32 $0xFFFFF000  }
0x4b: {  	[spmem:s20] =	stream.linear.scatter [tilespmem:s31], [sflag:$0x6], $0x1000, $0x38;
	[tilespmem:$0x1F000] =	vst v63  }
0x4c: {  	_ =	swait.ge [sflag:s0], $0x1000  }
0x4d: {  	[sflag:s0] =	ssyncset.done $0x0  }
0x4e: {  	s21 =	rddreg [dreg:$0xc];
	[sflag:s0] =	ssyncadd.s32 $0xFFFFF000  }
0x4f: {  	[spmem:s21] =	stream.linear.scatter [tilespmem:s31], [sflag:$0x6], $0x1000, $0x38;
	[tilespmem:$0x1F000] =	vst v63  }
0x50: {  	_ =	swait.ge [sflag:s0], $0x1000  }
0x51: {  	[sflag:s0] =	ssyncset.done $0x0  }
0x52: {  	s22 =	rddreg [dreg:$0xd];
	[sflag:s0] =	ssyncadd.s32 $0xFFFFF000  }
0x53: {  	[spmem:s22] =	stream.linear.scatter [tilespmem:s31], [sflag:$0x6], $0x1000, $0x38;
	[tilespmem:$0x1F000] =	vst v63  }
0x54: {  	_ =	swait.ge [sflag:s0], $0x1000  }
0x55: {  	[sflag:s0] =	ssyncset.done $0x0  }
0x56: {  	s20 =	rddreg [dreg:$0xe];
	[sflag:s0] =	ssyncadd.s32 $0xFFFFF000  }
0x57: {  	[spmem:s20] =	stream.linear.scatter [tilespmem:s31], [sflag:$0x6], $0x1000, $0x38;
	[tilespmem:$0x1F000] =	vst v63  }
0x58: {  	_ =	swait.ge [sflag:s0], $0x1000  }
0x59: {  	[sflag:s0] =	ssyncset.done $0x0  }
0x5a: {  	s21 =	rddreg [dreg:$0xf];
	[sflag:s0] =	ssyncadd.s32 $0xFFFFF000  }
0x5b: {  	[spmem:s21] =	stream.linear.scatter [tilespmem:s31], [sflag:$0x6], $0x1000, $0x38;
	[tilespmem:$0x1F000] =	vst v63  }
0x5c: {  	_ =	swait.ge [sflag:s0], $0x1000  }
0x5d: {  	[sflag:s0] =	ssyncset.done $0x0  }
0x5e: {  	s22 =	rddreg [dreg:$0x10];
	[sflag:s0] =	ssyncadd.s32 $0xFFFFF000  }
0x5f: {  	[spmem:s22] =	stream.linear.scatter [tilespmem:s31], [sflag:$0x6], $0x1000, $0x38;
	[tilespmem:$0x1F000] =	vst v63  }
0x60: {  	_ =	swait.ge [sflag:s0], $0x1000  }
0x61: {  	[sflag:s0] =	ssyncset.done $0x0  }
0x62: {  	[sflag:s0] =	ssyncadd.s32 $0xFFFFF000  }
0x63: {  	[spmem:s23] =	stream.linear.scatter [tilespmem:s31], [sflag:$0x6], $0x1000, $0x38;
	[tilespmem:$0x1F000] =	vst v63  }
0x64: {  	_ =	swait.ge [sflag:s0], $0x1000  }
0x65: {  	[sflag:s0] =	ssyncset.done $0x0  }
0x66: {  	[sflag:s0] =	ssyncadd.s32 $0xFFFFF000  }
0x67: {  	[spmem:s25] =	stream.linear.scatter [tilespmem:s31], [sflag:$0x6], $0x1000, $0x38;
	[tilespmem:$0x1F000] =	vst v63  }
0x68: {  	_ =	swait.ge [sflag:s0], $0x1000  }
0x69: {  	[sflag:s0] =	ssyncset.done $0x0  }
0x6a: {  	[sflag:s0] =	ssyncadd.s32 $0xFFFFF000  }
0x6b: {  	[spmem:s26] =	stream.linear.scatter [tilespmem:s31], [sflag:$0x6], $0x1000, $0x38;
	[tilespmem:$0x1F000] =	vst v63  }
0x6c: {  	_ =	swait.ge [sflag:s0], $0x1000  }
0x6d: {  	[sflag:s0] =	ssyncset.done $0x0  }
0x6e: {  	[sflag:s0] =	ssyncadd.s32 $0xFFFFF000  }
0x6f: {  	[spmem:s28] =	stream.linear.scatter [tilespmem:s31], [sflag:$0x6], $0x1000, $0x38;
	[tilespmem:$0x1F000] =	vst v63  }
0x70: {  	_ =	swait.ge [sflag:s0], $0x1000  }
0x71: {  	[sflag:s0] =	ssyncset.done $0x0  }
0x72: {  	[sflag:s0] =	ssyncadd.s32 $0xFFFFF000  }
0x73: {  	[spmem:s29] =	stream.linear.scatter [tilespmem:s31], [sflag:$0x6], $0x1000, $0x38;
	[tilespmem:$0x1F000] =	vst v63  }
0x74: {  	_ =	swait.ge [sflag:s0], $0x1000  }
0x75: {  	[sflag:s0] =	ssyncset.done $0x0  }
0x76: {  	[sflag:s0] =	ssyncadd.s32 $0xFFFFF000  }
0x77: {  	[spmem:s30] =	stream.linear.scatter [tilespmem:s31], [sflag:$0x6], $0x1000, $0x38;
	[tilespmem:$0x1F000] =	vst v63  }
0x78: {  	_ =	swait.ge [sflag:s0], $0x1000  }
0x79: {  	[sflag:s0] =	ssyncset.done $0x0  }
0x7a: {  	[sflag:s0] =	ssyncadd.s32 $0xFFFFF000  }
0x7b: {  	s19 =	simm.s32 $0x0;
	[bflag:$0x0] =	sbarrier.arrive $0xFFFF  }
.LBB2_4:
0x7c: {  	s20 =	sshll.u32 s19, $0xC  }
0x7d: {  	s20 =	sadd.s32 s7, s20  }
0x7e: {  	s20 =	sshrl.u32 s20, $0x3  }
0x7f: {  	s21 =	sadd.s32 s4, s20  }
0x80: {  	[tilespmem:s2], [sflag:$0x1] =	stream.linear.gather [hbm4b:s21+s2], $0x1000, $0x38;
	[tilespmem:$0x1F000] =	vst v63  }
0x81: {  	s20 =	sadd.s32 s5, s20  }
0x82: {  	[tilespmem:s3], [sflag:$0x3] =	stream.linear.gather [hbm4b:s20+s2], $0x1000, $0x38;
	[tilespmem:$0x1F000] =	vst v63  }
0x83: {  	_ =	swait.ge [sflag:s9], $0x1000  }
0x84: {  	[sflag:s9] =	ssyncset.done $0x0  }
0x85: {  	[sflag:s9] =	ssyncadd.s32 $0xFFFFF000  }
0x86: {  	_ =	swait.ge [sflag:s10], $0x1000  }
0x87: {  	[sflag:s10] =	ssyncset.done $0x0  }
0x88: {  	[sflag:s10] =	ssyncadd.s32 $0xFFFFF000  }
0x89: {  	[tilespmem:s12], [sflag:$0x3] =	stream.indirect.gather [hbm4b:s8+s11], $0x80, s2, s11, $0xb8;
	[tilespmem:$0x1F000] =	vst v63  }
0x8a: {  	_ = 	snop  }
0x8b: {  	[tilespmem:s13], [sflag:$0x4] =	stream.indirect.gather [hbm4b:s8+s11], $0x80, s11, s11, $0xb8;
	[tilespmem:$0x1F000] =	vst v63  }
0x8c: {  	_ =	swait.ge [sflag:s10], $0x4000  }
0x8d: {  	[sflag:s10] =	ssyncset.done $0x0  }
0x8e: {  	[sflag:s10] =	ssyncadd.s32 $0xFFFFC000  }
0x8f: {  	[spmem:s1] =	stream.indirect.scatter.add.f32 [tilespmem:s12], [sflag:$0x2], $0x80, s3, s11, $0xb8;
	[tilespmem:$0x1F000] =	vst v63  }
0x90: {  	_ =	swait.ge [sflag:s14], $0x4000  }
0x91: {  	[sflag:s14] =	ssyncset.done $0x0  }
0x92: {  	s22 =	simm.s32 $0x100;
	[sflag:s14] =	ssyncadd.s32 $0xFFFFC000  }
0x93: {  	[tilespmem:s12], [sflag:$0x3] =	stream.indirect.gather [hbm4b:s8+s11], $0x80, s22, s11, $0xb8;
	[tilespmem:$0x1F000] =	vst v63  }
0x94: {  	_ =	swait.ge [sflag:s15], $0x4000  }
0x95: {  	[sflag:s15] =	ssyncset.done $0x0  }
0x96: {  	s21 =	simm.s32 $0x1080;
	[sflag:s15] =	ssyncadd.s32 $0xFFFFC000  }
0x97: {  	[spmem:s1] =	stream.indirect.scatter.add.f32 [tilespmem:s13], [sflag:$0x5], $0x80, s21, s11, $0xb8;
	[tilespmem:$0x1F000] =	vst v63  }
0x98: {  	_ =	swait.ge [sflag:s16], $0x4000  }
0x99: {  	[sflag:s16] =	ssyncset.done $0x0  }
0x9a: {  	s22 =	simm.s32 $0x180;
	[sflag:s16] =	ssyncadd.s32 $0xFFFFC000  }
0x9b: {  	[tilespmem:s13], [sflag:$0x4] =	stream.indirect.gather [hbm4b:s8+s11], $0x80, s22, s11, $0xb8;
	[tilespmem:$0x1F000] =	vst v63  }
0x9c: {  	_ =	swait.ge [sflag:s10], $0x4000  }
0x9d: {  	[sflag:s10] =	ssyncset.done $0x0  }
0x9e: {  	s20 =	simm.s32 $0xFFFFC800;
	s21 =	simm.s32 $0x1100;
	[sflag:s10] =	ssyncadd.s32 $0xFFFFC000  }
.LBB2_5:
0x9f: {  	[spmem:s1] =	stream.indirect.scatter.add.f32 [tilespmem:s12], [sflag:$0x2], $0x80, s21, s11, $0xb8;
	[tilespmem:$0x1F000] =	vst v63  }
0xa0: {  	s21 =	smov.u32 s20  }
0xa1: {  	p0 =	sne.s32 s20, $0xFFFFFC00;
	s20 =	sadd.s32 $0x400, s20;
	_ =	swait.ge [sflag:s14], $0x4000  }
0xa2: {  	s21 =	sshra.s32 s21, $0x2;
	[sflag:s14] =	ssyncset.done $0x0  }
0xa3: {  	s22 =	sadd.s32 $0x1000, s21;
	[sflag:s14] =	ssyncadd.s32 $0xFFFFC000  }
0xa4: {  	[tilespmem:s12], [sflag:$0x3] =	stream.indirect.gather [hbm4b:s8+s11], $0x80, s22, s11, $0xb8;
	[tilespmem:$0x1F000] =	vst v63  }
0xa5: {  	_ =	swait.ge [sflag:s15], $0x4000  }
0xa6: {  	[sflag:s15] =	ssyncset.done $0x0  }
0xa7: {  	s22 =	sadd.s32 $0x1F80, s21;
	[sflag:s15] =	ssyncadd.s32 $0xFFFFC000  }
0xa8: {  	[spmem:s1] =	stream.indirect.scatter.add.f32 [tilespmem:s13], [sflag:$0x5], $0x80, s22, s11, $0xb8;
	[tilespmem:$0x1F000] =	vst v63  }
0xa9: {  	_ =	swait.ge [sflag:s16], $0x4000  }
0xaa: {  	[sflag:s16] =	ssyncset.done $0x0  }
.Ltmp1:
0xab: {  	s22 =	sadd.s32 $0x1080, s21;
	[sflag:s16] =	ssyncadd.s32 $0xFFFFC000;
	(pc) =	sbr.rel @p0 .LBB2_5-.Ltmp1, $4  }
0xac: {  	[tilespmem:s13], [sflag:$0x4] =	stream.indirect.gather [hbm4b:s8+s11], $0x80, s22, s11, $0xb8;
	[tilespmem:$0x1F000] =	vst v63  }
0xad: {  	_ =	swait.ge [sflag:s10], $0x4000  }
0xae: {  	[sflag:s10] =	ssyncset.done $0x0  }
0xaf: {  	s21 =	sadd.s32 $0x2000, s21;
	[sflag:s10] =	ssyncadd.s32 $0xFFFFC000  }
0xb0: {  	[spmem:s1] =	stream.indirect.scatter.add.f32 [tilespmem:s12], [sflag:$0x2], $0x80, s21, s11, $0xb8;
	[tilespmem:$0x1F000] =	vst v63  }
0xb1: {  	_ =	swait.ge [sflag:s14], $0x4000  }
0xb2: {  	[sflag:s14] =	ssyncset.done $0x0  }
0xb3: {  	[sflag:s14] =	ssyncadd.s32 $0xFFFFC000  }
0xb4: {  	s19 =	sadd.s32 $0x1, s19;
	_ =	swait.ge [sflag:s15], $0x4000  }
0xb5: {  	p0 =	sne.s32 s19, $0x5;
	[sflag:s15] =	ssyncset.done $0x0  }
.Ltmp2:
0xb6: {  	[sflag:s15] =	ssyncadd.s32 $0xFFFFC000;
	(pc) =	sbr.rel @p0 .LBB2_4-.Ltmp2, $4  }
0xb7: {  	[spmem:s1] =	stream.indirect.scatter.add.f32 [tilespmem:s13], [sflag:$0x5], $0x80, s17, s11, $0xb8;
	[tilespmem:$0x1F000] =	vst v63  }
0xb8: {  	_ =	swait.ge [sflag:s16], $0x4000  }
0xb9: {  	[sflag:s16] =	ssyncset.done $0x0  }
0xba: {  	[sflag:s16] =	ssyncadd.s32 $0xFFFFC000  }
0xbb: {  	s19 =	stileid.u32  }
0xbc: {  	s19 =	sshll.u32 s19, $0x6  }
0xbd: {  	[bflag:$0x0] =	sbarrier.arrive $0xFFFF;
	s20 =	sshrl.u32 s6, $0x3;
	s19 =	sor.u32 $0x1C06, s19  }
0xbe: {  	[hbm:s24], [sflag:s19] =	dma.local [spmem:s20], $0x2800  }
0xbf: {  	_ =	swait.ge [sflag:s0], $0x2800  }
0xc0: {  	s18 =	sadd.s32 $0x1, s18;
	s22 =	rddreg [dreg:$0x3]  }
0xc1: {  	p0 =	sne.s32 s18, s22  }
.Ltmp3:
0xc2: {  	_ = 	snop;
	(pc) =	sbr.rel @p0 .LBB2_1-.Ltmp3, $3  }
0xc3: {  	_ =	sdelay $0x1  }
0xc4: {  	[sflag:s0] =	ssyncset.done $0x0  }
0xc5: {  	[sflag:s0] =	ssyncadd.s32 $0xFFFFD800  }
0xc6: {  	_ =	sfence.sel $0x180000  }
0xc7: {  	[bflag:$0x0] =	sbarrier.arrive $0xFFFF  }
0xc8: {  	_ =	strace $0x9000004D  }
0xc9: {  	s0 =	stileid.u32;
	[bflag:$0x2] =	sbarrier.arrive $0xFFFF  }
0xca: {  	p0 =	sne.s32 s0, $0x0;
	s0 =	rddreg [dreg:$0x2]  }
0xcb: {  	s0 =	sadd.s32 @!p0 $0x100000, s0  }
0xcc: {  	[sflag:s0] =	ssyncadd.tile.s32 @!p0 $0x1;
	_ =	shalt  }
.Lfunc_end2:
_tile_overlayer_lowered:
.L_overlay_start_2:
0xcd: {  	(tag) =	ssettag $0x2  }
0xce: {  	s0 =	rddreg [dreg:$0x0];
	s2 =	stileid.u32  }
0xcf: {  	s1 =	rddreg [dreg:$0x1];
	p0 =	sne.s32 s2, $0x0  }
0xd0: {  	s3 =	rddreg [dreg:$0x2];
	[bflag:$0x3] =	sbarrier.arrive $0xFFFF;
	s2 =	simm.s32 @!p0 $0x1C06  }
0xd1: {  	[timem:s3], [sflag:s2] =	dma.local @!p0 [hbm:s0], s1  }
0xd2: {  	s0 =	simm.s32 @!p0 $0x6  }
0xd3: {  	_ =	swait.ge @!p0 [sflag:s0], s1  }
0xd4: {  	s1 =	ssub.s32 @!p0 $0x0, s1;
	[sflag:s0] =	ssyncset.done @!p0 $0x0  }
0xd5: {  	[sflag:s0] =	ssyncadd.s32 @!p0 s1  }
0xd6: {  	[bflag:$0x3] =	sbarrier.arrive $0xFFFF  }
0xd7: {  	_ =	shalt  }

// kernel: kernel.8.cloned.1.call-start
scs
__scs_entry_jumppad:
0x0: {  	(pc) =	sbr.rel $0x88, $3  }
0x1: {  	(tag) =	ssettag $0x0;
	lr =	simm.s32 $0x1  }
0x2: {  	[smem:$0x3F99] =	sst lr;
	_ =	strace $0xD0000000  }
0x3: {  	_ = 	snop  }
0x4: {  	_ = 	snop  }
0x5: {  	_ = 	snop  }
0x6: {  	_ = 	snop  }
0x7: {  	_ = 	snop  }
__scs_overlays_trampoline_lowered:
0x8: {  	[smem:$0x3FA8] =	sst s0  }
0x9: {  	[smem:$0x3FA9] =	sst s1  }
0xa: {  	[smem:$0x3FAA] =	sst s2  }
0xb: {  	[smem:$0x3FAB] =	sst s3  }
0xc: {  	[smem:$0x3FAC] =	sst s4  }
0xd: {  	[smem:$0x3FAD] =	sst s5  }
0xe: {  	[smem:$0x3FAE] =	sst s6  }
0xf: {  	[smem:$0x3FAF] =	sst s7  }
0x10: {  	[smem:$0x3FB0] =	sst s8  }
0x11: {  	[smem:$0x3FB1] =	sst s9;
	s0 =	simm.s32 @!p0 $0x0  }
0x12: {  	s1 =	sld [smem:$0x3F97];
	s0 =	simm.s32 @p0 $0x1  }
0x13: {  	[smem:$0x3FB2] =	sst s0;
	s0 =	simm.s32 @!p1 $0x0  }
0x14: {  	s2 =	sld [smem:$0x3F96];
	s0 =	simm.s32 @p1 $0x1  }
0x15: {  	[smem:$0x3FB3] =	sst s0;
	s0 =	simm.s32 @!p2 $0x0  }
0x16: {  	s3 =	sld [smem:$0x3FDB];
	s0 =	simm.s32 @p2 $0x1  }
0x17: {  	s4 =	simm.s32 $0x1BF5;
	[smem:$0x3FB5] =	sst s0  }
0x18: {  	s0 =	sld [smem:$0x3F98];
	_ =	swait.ge [sflag:s4], $0x0  }
0x19: {  	s7 =	sld [smem:$0x3F99]  }
0x1a: {  	s8 =	sadd.s32 $0xFFFFE003, lr  }
0x1b: {  	s9 =	sadd.s32 $0xFFFFFEF7, lr;
	s5 =	simm.s32 $0xFFFFFFFF;
	p2 =	slt.u32 s8, $0xFFFFF086  }
0x1c: {  	p1 =	slt.u32 s9, $0xF7A;
	s5 =	simm.s32 @!p2 $0x0  }
0x1d: {  	s5 =	simm.s32 @p1 $0x1;
	p0 =	seq.s32 s7, s2  }
0x1e: {  	s7 =	smul.u32 @!p0 $0xF7A, s2;
	p2 =	seq.s32 @!p0 s5, $0x0  }
0x1f: {  	s9 =	smul.u32 $0xF7A, s1;
	s8 =	simm.s32 @!p0 $0x1BF5;
	p2 =	por !p2, p0  }
0x20: {  	[sflag:s8] =	ssyncset.s32 @!p0 $0xFFFFF086;
	s6 =	sadd.s32 @!p0 s3, s7;
	s7 =	simm.s32 @!p0 $0x108  }
0x21: {  	s3 =	sadd.s32 s3, s9;
	s6 =	sadd.s32 @!p0 $0x88, s6;
	s7 =	simm.s32 @p2 $0x1082  }
0x22: {  	[simem:s7], [sflag:s8] =	dma.local @!p0 [hbm:s6], $0xF7A  }
0x23: {  	s9 =	sor.u32 $0xD0000000, s2;
	s6 =	simm.s32 $0x108;
	_ =	swait.ge @!p0 [sflag:s8], $0x0  }
0x24: {  	s3 =	sadd.s32 $0x88, s3;
	s6 =	simm.s32 @!p1 $0x1082;
	[sflag:s4] =	ssyncset.s32 $0xFFFFF086  }
0x25: {  	[simem:s6], [sflag:s4] =	dma.local [hbm:s3], $0xF7A  }
0x26: {  	[smem:$0x3F99] =	sst s1;
	(tag) =	ssettag s2;
	_ =	strace s9  }
0x27: {  	s1 =	sld [smem:$0x3FA9]  }
0x28: {  	s2 =	sld [smem:$0x3FAA]  }
0x29: {  	s4 =	sld [smem:$0x3FAC]  }
0x2a: {  	p0 =	seq.s32 s5, $0x0;
	s5 =	sld [smem:$0x3FAD]  }
0x2b: {  	s6 =	sld [smem:$0x3FAE]  }
0x2c: {  	s7 =	sld [smem:$0x3FAF]  }
0x2d: {  	s3 =	simm.s32 $0x108;
	s8 =	sld [smem:$0x3FB0]  }
0x2e: {  	s3 =	simm.s32 @!p0 $0x1082;
	s9 =	sld [smem:$0x3FB1]  }
0x2f: {  	lr =	sadd.s32 s0, s3;
	s0 =	sld [smem:$0x3FA8]  }
0x30: {  	s3 =	sld [smem:$0x3FAB]  }
0x31: {  	[smem:$0x3FB4] =	sst s10  }
0x32: {  	s10 =	sld [smem:$0x3FB2];
	_ =	sdelay $0x3  }
0x33: {  	p0 =	seq.s32 s10, $0x1;
	s10 =	sld [smem:$0x3FB4];
	_ =	sdelay $0x3  }
0x34: {  	[smem:$0x3FB4] =	sst s10  }
0x35: {  	s10 =	sld [smem:$0x3FB3];
	_ =	sdelay $0x3  }
0x36: {  	p1 =	seq.s32 s10, $0x1;
	s10 =	sld [smem:$0x3FB4];
	_ =	sdelay $0x3  }
0x37: {  	[smem:$0x3FB4] =	sst s10  }
0x38: {  	s10 =	sld [smem:$0x3FB5]  }
0x39: {  	_ = 	snop;
	(pc) =	sbr.ind lr, $3  }
0x3a: {  	_ = 	snop  }
0x3b: {  	_ = 	snop  }
0x3c: {  	p2 =	seq.s32 s10, $0x1;
	s10 =	sld [smem:$0x3FB4]  }
0x3d: {  	_ =	shalt  }
0x3e: {  	_ =	shalt  }
0x3f: {  	_ =	shalt  }
0x40: {  	_ =	shalt  }
0x41: {  	_ =	shalt  }
0x42: {  	_ =	shalt  }
0x43: {  	_ =	shalt  }
0x44: {  	_ =	shalt  }
0x45: {  	_ =	shalt  }
0x46: {  	_ =	shalt  }
0x47: {  	_ =	shalt  }
0x48: {  	_ =	shalt  }
0x49: {  	_ =	shalt  }
0x4a: {  	_ =	shalt  }
0x4b: {  	_ =	shalt  }
0x4c: {  	_ =	shalt  }
0x4d: {  	_ =	shalt  }
0x4e: {  	_ =	shalt  }
0x4f: {  	_ =	shalt  }
0x50: {  	_ =	shalt  }
0x51: {  	_ =	shalt  }
0x52: {  	_ =	shalt  }
0x53: {  	_ =	shalt  }
0x54: {  	_ =	shalt  }
0x55: {  	_ =	shalt  }
0x56: {  	_ =	shalt  }
0x57: {  	_ =	shalt  }
0x58: {  	_ =	shalt  }
0x59: {  	_ =	shalt  }
0x5a: {  	_ =	shalt  }
0x5b: {  	_ =	shalt  }
0x5c: {  	_ =	shalt  }
0x5d: {  	_ =	shalt  }
0x5e: {  	_ =	shalt  }
0x5f: {  	_ =	shalt  }
0x60: {  	_ =	shalt  }
0x61: {  	_ =	shalt  }
0x62: {  	_ =	shalt  }
0x63: {  	_ =	shalt  }
0x64: {  	_ =	shalt  }
0x65: {  	_ =	shalt  }
0x66: {  	_ =	shalt  }
0x67: {  	_ =	shalt  }
0x68: {  	_ =	shalt  }
0x69: {  	_ =	shalt  }
0x6a: {  	_ =	shalt  }
0x6b: {  	_ =	shalt  }
0x6c: {  	_ =	shalt  }
0x6d: {  	_ =	shalt  }
0x6e: {  	_ =	shalt  }
0x6f: {  	_ =	shalt  }
0x70: {  	_ =	shalt  }
0x71: {  	_ =	shalt  }
0x72: {  	_ =	shalt  }
0x73: {  	_ =	shalt  }
0x74: {  	_ =	shalt  }
0x75: {  	_ =	shalt  }
0x76: {  	_ =	shalt  }
0x77: {  	_ =	shalt  }
0x78: {  	_ =	shalt  }
0x79: {  	_ =	shalt  }
0x7a: {  	_ =	shalt  }
0x7b: {  	_ =	shalt  }
0x7c: {  	_ =	shalt  }
0x7d: {  	_ =	shalt  }
0x7e: {  	_ =	shalt  }
0x7f: {  	_ =	shalt  }
0x80: {  	_ =	shalt  }
0x81: {  	_ =	shalt  }
0x82: {  	_ =	shalt  }
0x83: {  	_ =	shalt  }
0x84: {  	_ =	shalt  }
0x85: {  	_ =	shalt  }
0x86: {  	_ =	shalt  }
0x87: {  	_ =	shalt  }
.Lfunc_end0:
.L_simem_size_0:
called_computation_lowered:
.L_overlay_start_0:
0x88: {  	s2 =	sld [smem:$0x3FD9]  }
0x89: {  	s3 =	sld [smem:$0x3FFE];
	_ =	sdelay $0x1  }
0x8a: {  	s1 =	srdreg.scid  }
0x8b: {  	s0 =	sand.u32 $0x1, s1  }
0x8c: {  	s16 =	sshll.u32 s0, $0xA;
	s2 =	sadd.s32 s3, s2  }
0x8d: {  	s2 =	sadd.s32 s2, s16  }
0x8e: {  	[smem:$0x3FC0] =	sst s2  }
0x8f: {  	_ = 	snop  }
0x90: {  	(tm) =	ssettm $0x1  }
0x91: {  	s17 =	sld [smem:$0x3FFB];
	_ =	sdelay $0x3  }
0x92: {  	_ =	strace s17  }
0x93: {  	s2 =	sld [smem:$0x3FFC];
	_ =	sdelay $0x3  }
0x94: {  	_ =	strace s2  }
0x95: {  	s2 =	sld [smem:$0x3FFD];
	_ =	sdelay $0x3  }
0x96: {  	_ =	strace s2  }
0x97: {  	_ =	strace $0x8FFFFFFF  }
0x98: {  	s18 =	sld [smem:$0x3FDB];
	_ =	sdelay $0x1  }
0x99: {  	s19 =	simm.s32 $_scs_section_size  }
0x9a: {  	s4 =	simm.s32 $_size__tile_overlayer_lowered;
	s5 =	simm.s32 $_tile_overlayer_lowered  }
0x9b: {  	s22 =	simm.s32 $0x1BFF;
	s21 =	sshll.u32 s5, $0x1;
	s2 =	sadd.s32 s19, s18  }
0x9c: {  	s6 =	simm.s32 $0x0;
	s20 =	sshll.u32 s4, $0x1;
	s4 =	sadd.s32 s21, s2  }
0x9d: {  	[timem:s6], [sflag:s22] =	dma.local [hbm:s4], s20  }
0x9e: {  	_ =	swait.ge [sflag:s22], s20  }
0x9f: {  	s3 =	ssub.s32 $0x0, s20;
	[sflag:s22] =	ssyncset.done $0x0  }
0xa0: {  	[sflag:s22] =	ssyncadd.s32 s3;
	_ =	sdelay $0x1  }
0xa1: {  	s23 =	simm.s32 $0x1B8B  }
0xa2: {  	_ =	swait.ge [sflag:s23], $0x1  }
0xa3: {  	[sflag:s23] =	ssyncset.done $0x0  }
0xa4: {  	s25 =	simm.s32 $0x1B8E;
	s24 =	sld [smem:$0x3FFE];
	[sflag:s23] =	ssyncadd.s32 $0xFFFFFFFF  }
0xa5: {  	s26 =	simm.s32 $execute0_lowered;
	[smem:$0x3FD2] =	sst s25  }
0xa6: {  	s4 =	sshll.u32 s26, $0x1;
	_ =	strace $0x80000046;
	[dreg:$0x1] =	wrdreg $0xFFFFFFFF  }
0xa7: {  	s28 =	simm.s32 $_size_execute0_lowered;
	s2 =	sadd.s32 s2, s4;
	[dreg:$0x0] =	wrdreg $0x0  }
0xa8: {  	s4 =	sshll.u32 s28, $0x1;
	[dreg:$0x2] =	wrdreg s2  }
0xa9: {  	[dreg:$0x3] =	wrdreg s4  }
0xaa: {  	[dreg:$0x4] =	wrdreg $0xC0  }
0xab: {  	_ =	task [dreg:s6], $0x5FFFF  }
0xac: {  	[dreg:$0x1] =	wrdreg $0xFFFFFFFF  }
0xad: {  	[dreg:$0x0] =	wrdreg $0x60  }
0xae: {  	[dreg:$0x2] =	wrdreg s24  }
0xaf: {  	[dreg:$0x3] =	wrdreg $0x53000  }
0xb0: {  	[dreg:$0x4] =	wrdreg $0x9  }
0xb1: {  	_ =	task.clear_ibuf [dreg:s6], $0x5FFFF;
	_ =	strace $0x90000046  }
0xb2: {  	s29 =	simm.s32 $0x9;
	_ =	strace $0x80000048  }
0xb3: {  	_ =	swait.ge [sflag:s29], $0x1  }
0xb4: {  	[sflag:s29] =	ssyncadd.s32 $0xFFFFFFFF  }
0xb5: {  	_ =	strace $0x90000048  }
0xb6: {  	_ =	sfence  }
0xb7: {  	s30 =	sld [smem:$0x0];
	_ =	sdelay $0x2  }
0xb8: {  	s31 =	sshll.u32 s1, $0xD;
	s1 =	sshrl.u32 s1, $0x2  }
0xb9: {  	s3 =	sand.u32 $0x4000, s31;
	s1 =	sadd.s32 s1, s30  }
0xba: {  	s0 =	sor.u32 s3, s0;
	s1 =	sshll.u32 s1, $0x11  }
0xbb: {  	s0 =	sor.u32 s1, s0  }
0xbc: {  	s0 =	sadd.s32 $0x8F2B, s0  }
0xbd: {  	[sflag:s0] =	ssyncadd.remote.s32 $0x1  }
0xbe: {  	_ =	sfence.sel $0xFFFF  }
0xbf: {  	[dreg:$0x0] =	wrdreg $0xFFFFFFFF;
	(pc) =	sbr.abs _section_cstart, $3  }
0xc0: {  	[dreg:$0x1] =	wrdreg $0xFFFFFFFF  }
0xc1: {  	_ =	task.clear_ibuf [dreg:s6], $0x2FFFF;
	_ =	strace $0x9FFFFFFF  }
0xc2: {  	(tm) =	ssettm $0x7FFFFFFF  }
0xc3: {  	_ =	shalt  }
tec
execute0_lowered:
.L_overlay_start_1:
0x0: {  	(tag) =	ssettag $0x1  }
0x1: {  	s5 =	rddreg [dreg:$0x0]  }
0x2: {  	s1 =	rddreg [dreg:$0x1]  }
0x3: {  	s0 =	rddreg [dreg:$0x2];
	s3 =	simm.s32 $0x0;
	s2 =	srdreg.scid  }
0x4: {  	s10 =	simm.s32 $0x2A00;
	s11 =	simm.s32 $0x5000;
	s12 =	simm.s32 $0x100  }
0x5: {  	s13 =	simm.s32 $0x180;
	s14 =	simm.s32 $0x200;
	s15 =	simm.s32 $0x280  }
0x6: {  	s16 =	simm.s32 $0x300;
	s17 =	simm.s32 $0x380;
	s18 =	simm.s32 $0x2  }
0x7: {  	s22 =	simm.s32 $0x20;
	s23 =	simm.s32 $0x10;
	s24 =	simm.s32 $0x0  }
0x8: {  	[smem:$0x7FF] =	sst s3;
	s4 =	sand.u32 $0x1, s2;
	s2 =	stileid.u32  }
0x9: {  	s6 =	sshll.u32 s4, $0x4;
	s7 =	ssub.s32 $0x2, s4;
	s8 =	smul.u32 $0xA00, s2  }
0xa: {  	_ =	strace $0x80000047;
	p0 =	seq.s32 s4, $0x1;
	s20 =	smul.u32 $0xA0, s2  }
0xb: {  	s21 =	sshll.u32 s2, $0x6;
	s6 =	sadd.s32 s6, s5;
	s9 =	sshrl.u32 s7, $0x1  }
0xc: {  	s10 =	simm.s32 @!p0 $0xCA00;
	s30 =	sshrl.u32 s8, $0x2;
	s7 =	ssub.s32 s7, s9  }
0xd: {  	s19 =	sadd.s32 $0x16A00, s6;
	s31 =	sadd.s32 s10, s5;
	s9 =	simm.s32 $0x1  }
0xe: {  	s10 =	simm.s32 $0x80;
	s4 =	sadd.s32 s30, s1;
	s5 =	smax.u32 s7, $0x1  }
0xf: {  	s6 =	sadd.s32 s31, s8;
	s7 =	simm.s32 $0x5080;
	s8 =	simm.s32 $0x3  }
0x10: {  	v0 =	vimm.f32 $0.0e+00;
	v1 =	vimm.f32 $1.000000000e+00;
	s19 =	sadd.s32 s20, s19;
	s20 =	sor.u32 $0x1C03, s21;
	s21 =	sshrl.u32 s4, $0x3  }
.LBB2_1:
0x11: {  	[tilespmem:$0x5080] =	vst v0  }
0x12: {  	[tilespmem:$0x5090] =	vst v0  }
0x13: {  	[tilespmem:$0x50A0] =	vst v0  }
0x14: {  	[tilespmem:$0x50B0] =	vst v0  }
0x15: {  	[tilespmem:$0x50C0] =	vst v0  }
0x16: {  	[tilespmem:$0x50D0] =	vst v0  }
0x17: {  	[tilespmem:$0x50E0] =	vst v0  }
0x18: {  	[tilespmem:$0x50F0] =	vst v0  }
0x19: {  	[tilespmem:$0x5100] =	vst v0  }
0x1a: {  	[tilespmem:$0x5110] =	vst v0  }
0x1b: {  	[tilespmem:$0x5120] =	vst v0  }
0x1c: {  	[tilespmem:$0x5130] =	vst v0  }
0x1d: {  	[tilespmem:$0x5140] =	vst v0  }
0x1e: {  	[tilespmem:$0x5150] =	vst v0  }
0x1f: {  	[tilespmem:$0x5160] =	vst v0  }
0x20: {  	[tilespmem:$0x5170] =	vst v0  }
0x21: {  	[tilespmem:$0x5180] =	vst v0  }
0x22: {  	[tilespmem:$0x5190] =	vst v0  }
0x23: {  	[tilespmem:$0x51A0] =	vst v0  }
0x24: {  	[tilespmem:$0x51B0] =	vst v0  }
0x25: {  	[tilespmem:$0x51C0] =	vst v0  }
0x26: {  	[tilespmem:$0x51D0] =	vst v0  }
0x27: {  	[tilespmem:$0x51E0] =	vst v0  }
0x28: {  	[tilespmem:$0x51F0] =	vst v0  }
0x29: {  	[tilespmem:$0x5200] =	vst v0  }
0x2a: {  	[tilespmem:$0x5210] =	vst v0  }
0x2b: {  	[tilespmem:$0x5220] =	vst v0  }
0x2c: {  	[tilespmem:$0x5230] =	vst v0  }
0x2d: {  	[tilespmem:$0x5240] =	vst v0  }
0x2e: {  	[tilespmem:$0x5250] =	vst v0  }
0x2f: {  	[tilespmem:$0x5260] =	vst v0  }
0x30: {  	[tilespmem:$0x5270] =	vst v0  }
0x31: {  	[tilespmem:$0x5280] =	vst v0  }
0x32: {  	[tilespmem:$0x5290] =	vst v0  }
0x33: {  	[tilespmem:$0x52A0] =	vst v0  }
0x34: {  	[tilespmem:$0x52B0] =	vst v0  }
0x35: {  	[tilespmem:$0x52C0] =	vst v0  }
0x36: {  	[tilespmem:$0x52D0] =	vst v0  }
0x37: {  	[tilespmem:$0x52E0] =	vst v0  }
0x38: {  	[tilespmem:$0x52F0] =	vst v0  }
0x39: {  	[tilespmem:$0x5000] =	vst v1  }
0x3a: {  	[tilespmem:$0x5010] =	vst v1  }
0x3b: {  	[tilespmem:$0x5020] =	vst v1  }
0x3c: {  	[tilespmem:$0x5030] =	vst v1  }
0x3d: {  	[tilespmem:$0x5040] =	vst v1  }
0x3e: {  	[tilespmem:$0x5050] =	vst v1  }
0x3f: {  	[tilespmem:$0x5060] =	vst v1  }
0x40: {  	[tilespmem:$0x5070] =	vst v1  }
0x41: {  	[tilespmem:s3], [sflag:$0x1] =	stream.linear.gather [hbm4b:s6+s3], $0x5000, $0x38;
	[tilespmem:$0x5580] =	vst v63  }
0x42: {  	_ = 	snop  }
0x43: {  	[spmem:s4] =	stream.linear.scatter [tilespmem:s7], [sflag:$0x3], $0x280, $0x38;
	[tilespmem:$0x5580] =	vst v63  }
0x44: {  	_ =	swait.ge [sflag:s8], $0x280  }
0x45: {  	[sflag:s8] =	ssyncset.done $0x0  }
0x46: {  	[sflag:s8] =	ssyncadd.s32 $0xFFFFFD80  }
0x47: {  	_ =	swait.ge [sflag:s9], $0x5000  }
0x48: {  	[sflag:s9] =	ssyncset.done $0x0  }
0x49: {  	[sflag:s9] =	ssyncadd.s32 $0xFFFFB000  }
0x4a: {  	[bflag:$0x0] =	sbarrier.arrive $0xFFFF  }
0x4b: {  	[spmem:s1] =	stream.indirect.scatter.add.f32 [tilespmem:s11], [sflag:$0x2], $0x1, s3, s10, $0xb8;
	[tilespmem:$0x5580] =	vst v63  }
0x4c: {  	_ = 	snop  }
0x4d: {  	[spmem:s1] =	stream.indirect.scatter.add.f32 [tilespmem:s11], [sflag:$0x2], $0x1, s10, s10, $0xb8;
	[tilespmem:$0x5580] =	vst v63  }
0x4e: {  	_ = 	snop  }
0x4f: {  	[spmem:s1] =	stream.indirect.scatter.add.f32 [tilespmem:s11], [sflag:$0x2], $0x1, s12, s10, $0xb8;
	[tilespmem:$0x5580] =	vst v63  }
0x50: {  	_ = 	snop  }
0x51: {  	[spmem:s1] =	stream.indirect.scatter.add.f32 [tilespmem:s11], [sflag:$0x2], $0x1, s13, s10, $0xb8;
	[tilespmem:$0x5580] =	vst v63  }
0x52: {  	_ = 	snop  }
0x53: {  	[spmem:s1] =	stream.indirect.scatter.add.f32 [tilespmem:s11], [sflag:$0x2], $0x1, s14, s10, $0xb8;
	[tilespmem:$0x5580] =	vst v63  }
0x54: {  	_ = 	snop  }
0x55: {  	[spmem:s1] =	stream.indirect.scatter.add.f32 [tilespmem:s11], [sflag:$0x2], $0x1, s15, s10, $0xb8;
	[tilespmem:$0x5580] =	vst v63  }
0x56: {  	_ = 	snop  }
0x57: {  	[spmem:s1] =	stream.indirect.scatter.add.f32 [tilespmem:s11], [sflag:$0x2], $0x1, s16, s10, $0xb8;
	[tilespmem:$0x5580] =	vst v63  }
0x58: {  	_ = 	snop  }
0x59: {  	[spmem:s1] =	stream.indirect.scatter.add.f32 [tilespmem:s11], [sflag:$0x2], $0x1, s17, s10, $0xb8;
	[tilespmem:$0x5580] =	vst v63  }
0x5a: {  	_ =	swait.ge [sflag:s18], $0x80  }
0x5b: {  	[sflag:s18] =	ssyncset.done $0x0  }
0x5c: {  	s25 =	simm.s32 $0x1200;
	s26 =	simm.s32 $0x400;
	[sflag:s18] =	ssyncadd.s32 $0xFFFFFF80  }
.LBB2_2:
0x5d: {  	[spmem:s1] =	stream.indirect.scatter.add.f32 [tilespmem:s11], [sflag:$0x2], $0x1, s26, s10, $0xb8;
	[tilespmem:$0x5580] =	vst v63  }
0x5e: {  	s26 =	smov.u32 s25;
	p0 =	sne.s32 s25, $0x13E00  }
.Ltmp0:
0x5f: {  	s25 =	sadd.s32 $0x200, s25;
	(pc) =	sbr.rel @p0 .LBB2_2-.Ltmp0, $4  }
0x60: {  	_ = 	snop  }
0x61: {  	_ =	swait.ge [sflag:s18], $0x80  }
0x62: {  	[sflag:s18] =	ssyncset.done $0x0  }
0x63: {  	s26 =	sshra.s32 s26, $0x2;
	[sflag:s18] =	ssyncadd.s32 $0xFFFFFF80  }
0x64: {  	[spmem:s1] =	stream.indirect.scatter.add.f32 [tilespmem:s11], [sflag:$0x2], $0x1, s26, s10, $0xb8;
	[tilespmem:$0x5580] =	vst v63  }
0x65: {  	_ =	swait.ge [sflag:s18], $0x80  }
0x66: {  	[sflag:s18] =	ssyncset.done $0x0  }
0x67: {  	[sflag:s18] =	ssyncadd.s32 $0xFFFFFF80  }
0x68: {  	_ =	swait.ge [sflag:s18], $0x80  }
0x69: {  	[sflag:s18] =	ssyncset.done $0x0  }
0x6a: {  	[sflag:s18] =	ssyncadd.s32 $0xFFFFFF80  }
0x6b: {  	_ =	swait.ge [sflag:s18], $0x80  }
0x6c: {  	[sflag:s18] =	ssyncset.done $0x0  }
0x6d: {  	[sflag:s18] =	ssyncadd.s32 $0xFFFFFF80  }
0x6e: {  	_ =	swait.ge [sflag:s18], $0x80  }
0x6f: {  	[sflag:s18] =	ssyncset.done $0x0  }
0x70: {  	[sflag:s18] =	ssyncadd.s32 $0xFFFFFF80  }
0x71: {  	_ =	swait.ge [sflag:s18], $0x80  }
0x72: {  	[sflag:s18] =	ssyncset.done $0x0  }
0x73: {  	[sflag:s18] =	ssyncadd.s32 $0xFFFFFF80  }
0x74: {  	_ =	swait.ge [sflag:s18], $0x80  }
0x75: {  	[sflag:s18] =	ssyncset.done $0x0  }
0x76: {  	[sflag:s18] =	ssyncadd.s32 $0xFFFFFF80  }
0x77: {  	_ =	swait.ge [sflag:s18], $0x80  }
0x78: {  	[sflag:s18] =	ssyncset.done $0x0  }
0x79: {  	[sflag:s18] =	ssyncadd.s32 $0xFFFFFF80  }
0x7a: {  	_ =	swait.ge [sflag:s18], $0x80  }
0x7b: {  	s24 =	sadd.s32 $0x1, s24;
	[sflag:s18] =	ssyncset.done $0x0  }
0x7c: {  	p0 =	sne.s32 s24, s5;
	[sflag:s18] =	ssyncadd.s32 $0xFFFFFF80  }
.Ltmp1:
0x7d: {  	[bflag:$0x0] =	sbarrier.arrive $0xFFFF;
	(pc) =	sbr.rel @p0 .LBB2_1-.Ltmp1, $4  }
0x7e: {  	[hbm:s19@s22], [sflag:s20] =	dma.strided [spmem:s21@s23], $0x50, s9, $0x10   }
0x7f: {  	_ =	swait.ge [sflag:s8], $0x50  }
0x80: {  	[sflag:s8] =	ssyncset.done $0x0  }
0x81: {  	[sflag:s8] =	ssyncadd.s32 $0xFFFFFFB0  }
0x82: {  	_ =	sfence.sel $0x180000  }
0x83: {  	[bflag:$0x0] =	sbarrier.arrive $0xFFFF  }
0x84: {  	p0 =	sne.s32 s2, $0x0;
	_ =	strace $0x90000047  }
0x85: {  	s0 =	sadd.s32 @!p0 $0x100000, s0;
	[bflag:$0x2] =	sbarrier.arrive $0xFFFF  }
0x86: {  	[sflag:s0] =	ssyncadd.tile.s32 @!p0 $0x1;
	_ =	shalt  }
.Lfunc_end2:
_tile_overlayer_lowered:
.L_overlay_start_2:
0x87: {  	(tag) =	ssettag $0x2  }
0x88: {  	s0 =	rddreg [dreg:$0x0];
	s2 =	stileid.u32  }
0x89: {  	s1 =	rddreg [dreg:$0x1];
	p0 =	sne.s32 s2, $0x0  }
0x8a: {  	s3 =	rddreg [dreg:$0x2];
	[bflag:$0x3] =	sbarrier.arrive $0xFFFF;
	s2 =	simm.s32 @!p0 $0x1C03  }
0x8b: {  	[timem:s3], [sflag:s2] =	dma.local @!p0 [hbm:s0], s1  }
0x8c: {  	s0 =	simm.s32 @!p0 $0x3  }
0x8d: {  	_ =	swait.ge @!p0 [sflag:s0], s1  }
0x8e: {  	s1 =	ssub.s32 @!p0 $0x0, s1;
	[sflag:s0] =	ssyncset.done @!p0 $0x0  }
0x8f: {  	[sflag:s0] =	ssyncadd.s32 @!p0 s1  }
0x90: {  	[bflag:$0x3] =	sbarrier.arrive $0xFFFF  }
0x91: {  	_ =	shalt  }

</sc_bundles>
